<compile_context>
chip_gen: v7x
topology: tpu7x:2x2x1
jax: 0.10.2.dev20260603
libtpu: 0.0.44.dev20260713+nightly
codegen_flags: <defaults>
</compile_context>

<pallas_src>
import dataclasses
import functools

import jax
import jax.numpy as jnp
from jax import lax
from jax.experimental import pallas as pl
from jax.experimental.pallas import tpu as pltpu
from jax.experimental.pallas import tpu_sc as plsc

N = 10000
E = 320000
DH = 128

NC = 2
NS = 16
LANES = 16
NW = NC * NS
EPW = E // NW
CH = 80
NBUF = 3
NCHUNK = EPW // CH
RPT = N // NS
ZROWS = 125

@functools.cache
def _vector_mesh():
    return plsc.VectorSubcoreMesh(core_axis_name="c", subcore_axis_name="s",
                                  num_cores=NC, num_subcores=NS)



def _deg_body(ei_hbm, out_hbm, dst_v, degp, sem):
    c = lax.axis_index("c")
    s = lax.axis_index("s")
    wid = s * NC + c
    pltpu.async_copy(ei_hbm.at[1, pl.ds(wid * EPW, EPW)], dst_v, sem).wait()

    zeros = jnp.zeros((LANES,), jnp.float32)

    @pl.loop(0, N, step=LANES)
    def _(i):
        degp[pl.ds(i, LANES)] = zeros

    ones = jnp.ones((LANES,), jnp.float32)

    @pl.loop(0, EPW, step=LANES)
    def _(i):
        idx = dst_v[pl.ds(i, LANES)]
        plsc.addupdate_scatter(degp, [idx], ones)

    pltpu.async_copy(degp, out_hbm.at[wid], sem).wait()


def _sc_compiler_params():
    cp = pltpu.CompilerParams()
    cp = dataclasses.replace(cp, needs_layout_passes=False,
                             use_tc_tiling_on_sc=False)
    return cp


@functools.cache
def _deg_call():
    return pl.kernel(
        _deg_body,
        out_type=jax.ShapeDtypeStruct((NW, N), jnp.float32),
        mesh=_vector_mesh(),
        scratch_types=[
            pltpu.VMEM((EPW,), jnp.int32),
            pltpu.VMEM((N,), jnp.float32),
            pltpu.SemaphoreType.DMA,
        ],
        compiler_params=_sc_compiler_params(),
    )



def _agg_body(g_hbm, ei_hbm, zeros_hbm, out_hbm,
              src_v, dst_v, rows_v0, rows_v1, rows_v2,
              acc_sh, ssem, gsem0, gsem1, gsem2):
    c = lax.axis_index("c")
    s = lax.axis_index("s")
    wid = s * NC + c
    base = wid * EPW
    rows = (rows_v0, rows_v1, rows_v2)
    gsems = (gsem0, gsem1, gsem2)

    def gather(jj, t):
        pltpu.async_copy(g_hbm.at[src_v.at[pl.ds(jj * CH, CH)]], rows[t],
                         gsems[t])

    def wait_gather(jj, t):
        pltpu.make_async_copy(g_hbm.at[src_v.at[pl.ds(jj * CH, CH)]], rows[t],
                              gsems[t]).wait()

    def scat(jj, t):
        pltpu.sync_copy(rows[t], acc_sh.at[dst_v.at[pl.ds(jj * CH, CH)]],
                        add=True)

    pltpu.async_copy(ei_hbm.at[0, pl.ds(base, EPW)], src_v, ssem)
    pltpu.async_copy(ei_hbm.at[1, pl.ds(base, EPW)], dst_v, ssem)

    @pl.loop(0, RPT // ZROWS)
    def _(k):
        pltpu.sync_copy(zeros_hbm, acc_sh.at[pl.ds(s * RPT + k * ZROWS, ZROWS)])

    pltpu.make_async_copy(ei_hbm.at[0, pl.ds(base, EPW)], src_v, ssem).wait()
    pltpu.make_async_copy(ei_hbm.at[1, pl.ds(base, EPW)], dst_v, ssem).wait()
    for t in range(2):
        gather(t, t)

    plsc.subcore_barrier()

    @pl.loop(0, NCHUNK - 2, step=NBUF)
    def _(j):
        for t in range(NBUF):
            jj = j + t
            gather(jj + 2, (t + 2) % NBUF)
            wait_gather(jj, t)
            scat(jj, t)

    for jj in (NCHUNK - 2, NCHUNK - 1):
        wait_gather(jj, jj % NBUF)
        scat(jj, jj % NBUF)

    plsc.subcore_barrier()
    pltpu.sync_copy(acc_sh.at[pl.ds(s * RPT, RPT)],
                    out_hbm.at[c].at[pl.ds(s * RPT, RPT)])


@functools.cache
def _agg_call():
    return pl.kernel(
        _agg_body,
        out_type=jax.ShapeDtypeStruct((NC, N, DH), jnp.float32),
        mesh=_vector_mesh(),
        scratch_types=(
            [pltpu.VMEM((EPW,), jnp.int32),
             pltpu.VMEM((EPW,), jnp.int32)]
            + [pltpu.VMEM((CH, DH), jnp.float32)] * NBUF
            + [pltpu.VMEM_SHARED((N, DH), jnp.float32)]
            + [pltpu.SemaphoreType.DMA] * (NBUF + 1)
        ),
        compiler_params=_sc_compiler_params(),
    )



def _mm_body(x_ref, w_ref, o_ref):
    o_ref[...] = jnp.dot(x_ref[...], w_ref[...],
                         preferred_element_type=jnp.float32)


_BLK = 2000
_GRID = N // _BLK


def _mm(x, w):
    return pl.pallas_call(
        _mm_body,
        grid=(_GRID,),
        in_specs=[pl.BlockSpec((_BLK, DH), lambda i: (i, 0)),
                  pl.BlockSpec((DH, DH), lambda i: (0, 0))],
        out_specs=pl.BlockSpec((_BLK, DH), lambda i: (i, 0)),
        out_shape=jax.ShapeDtypeStruct((x.shape[0], w.shape[1]), jnp.float32),
    )(x, w)


def _dis_body(degp_ref, dis_ref):
    ones = jnp.ones((NW, 1), jnp.float32)
    deg = lax.dot_general(degp_ref[...], ones, (((0,), (0,)), ((), ())),
                          preferred_element_type=jnp.float32) + 1.0
    dis_ref[...] = lax.rsqrt(deg)


def _dis(degp):
    return pl.pallas_call(
        _dis_body,
        out_shape=jax.ShapeDtypeStruct((N, 1), jnp.float32),
    )(degp)


def _scale1_body(h_ref, dis_ref, g_ref):
    g_ref[...] = h_ref[...] * dis_ref[...]


def _scale1(h1p, dis):
    return pl.pallas_call(
        _scale1_body,
        grid=(_GRID,),
        in_specs=[pl.BlockSpec((_BLK, DH), lambda i: (i, 0)),
                  pl.BlockSpec((_BLK, 1), lambda i: (i, 0))],
        out_specs=pl.BlockSpec((_BLK, DH), lambda i: (i, 0)),
        out_shape=jax.ShapeDtypeStruct((N, DH), jnp.float32),
    )(h1p, dis)


def _mid_body(agg_ref, h1p_ref, dis_ref, b1_ref, w2_ref, h2p_ref, g2_ref):
    dis = dis_ref[...]
    a = agg_ref[0] + agg_ref[1]
    h = a * dis + h1p_ref[...] * (dis * dis) + b1_ref[...]
    h = jnp.maximum(h, 0.0)
    h2p = jnp.dot(h, w2_ref[...], preferred_element_type=jnp.float32)
    h2p_ref[...] = h2p
    g2_ref[...] = h2p * dis


def _mid(agg1, h1p, dis, b1, W2):
    return pl.pallas_call(
        _mid_body,
        grid=(_GRID,),
        in_specs=[pl.BlockSpec((NC, _BLK, DH), lambda i: (0, i, 0)),
                  pl.BlockSpec((_BLK, DH), lambda i: (i, 0)),
                  pl.BlockSpec((_BLK, 1), lambda i: (i, 0)),
                  pl.BlockSpec((DH,), lambda i: (0,)),
                  pl.BlockSpec((DH, DH), lambda i: (0, 0))],
        out_specs=(pl.BlockSpec((_BLK, DH), lambda i: (i, 0)),
                   pl.BlockSpec((_BLK, DH), lambda i: (i, 0))),
        out_shape=(jax.ShapeDtypeStruct((N, DH), jnp.float32),
                   jax.ShapeDtypeStruct((N, DH), jnp.float32)),
    )(agg1, h1p, dis, b1, W2)


def _final_body(agg_ref, h2p_ref, dis_ref, b2_ref, o_ref):
    dis = dis_ref[...]
    a = agg_ref[0] + agg_ref[1]
    o_ref[...] = a * dis + h2p_ref[...] * (dis * dis) + b2_ref[...]


def _final(agg2, h2p, dis, b2):
    return pl.pallas_call(
        _final_body,
        grid=(_GRID,),
        in_specs=[pl.BlockSpec((NC, _BLK, DH), lambda i: (0, i, 0)),
                  pl.BlockSpec((_BLK, DH), lambda i: (i, 0)),
                  pl.BlockSpec((_BLK, 1), lambda i: (i, 0)),
                  pl.BlockSpec((DH,), lambda i: (0,))],
        out_specs=pl.BlockSpec((_BLK, DH), lambda i: (i, 0)),
        out_shape=jax.ShapeDtypeStruct((N, DH), jnp.float32),
    )(agg2, h2p, dis, b2)



def kernel(x, edge_index, W1, b1, W2, b2):
    zeros_blk = jnp.zeros((ZROWS, DH), jnp.float32)

    degp = _deg_call()(edge_index)
    h1p = _mm(x, W1)
    dis = _dis(degp)
    g1 = _scale1(h1p, dis)
    agg1 = _agg_call()(g1, edge_index, zeros_blk)
    h2p, g2 = _mid(agg1, h1p, dis, b1, W2)
    agg2 = _agg_call()(g2, edge_index, zeros_blk)
    return _final(agg2, h2p, dis, b2)

# --- scband reference (transcript-rebuilt; emitter-appended) ---
"""Pipeline reference for scband-gcnencoder-24318104830702 (READ-ONLY COPY).

The authoritative reference and input builder live on the scoring server;
editing this copy changes nothing except your own understanding.
"""

import jax, jax.numpy as jnp
import numpy as np

N = 10000
E = 320000
D_IN = 128
D_HID = 128
D_OUT = 128


def setup_inputs(seed: int = 0) -> dict:
    key = jax.random.key(seed)
    k1, k2, k3, k4, k5, k6 = jax.random.split(key, 6)
    x = jax.random.normal(k1, (N, D_IN), dtype=jnp.float32)
    edge_index = jax.random.randint(k2, (2, E), 0, N, dtype=jnp.int32)
    # Glorot-style init for GCN weights
    s1 = (6.0 / (D_IN + D_HID)) ** 0.5
    s2 = (6.0 / (D_HID + D_OUT)) ** 0.5
    W1 = jax.random.uniform(k3, (D_IN, D_HID), dtype=jnp.float32, minval=-s1, maxval=s1)
    b1 = jnp.zeros((D_HID,), dtype=jnp.float32)
    W2 = jax.random.uniform(k4, (D_HID, D_OUT), dtype=jnp.float32, minval=-s2, maxval=s2)
    b2 = jnp.zeros((D_OUT,), dtype=jnp.float32)
    return {"x": x, "edge_index": edge_index, "W1": W1, "b1": b1, "W2": W2, "b2": b2}


def _gcn_layer(x, src, dst, norm, W, b):
    # x @ W, gather on src, scale by sym-norm, scatter-add on dst, + bias
    h = x @ W
    msg = h[src] * norm[:, None]
    out = jnp.zeros((x.shape[0], W.shape[1]), dtype=x.dtype).at[dst].add(msg)
    return out + b


def reference(x, edge_index, W1, b1, W2, b2):
    n = x.shape[0]
    self_loops = jnp.arange(n, dtype=edge_index.dtype)
    src = jnp.concatenate([edge_index[0], self_loops])
    dst = jnp.concatenate([edge_index[1], self_loops])
    # symmetric normalization deg^-1/2 (degree computed on dst, incl. self loops)
    deg = jnp.zeros((n,), dtype=x.dtype).at[dst].add(1.0)
    dis = jnp.where(deg > 0, deg ** -0.5, 0.0)
    norm = dis[src] * dis[dst]
    h = _gcn_layer(x, src, dst, norm, W1, b1)
    h = jax.nn.relu(h)
    # dropout is identity in eval mode
    out = _gcn_layer(h, src, dst, norm, W2, b2)
    return out

if __name__ == "__main__":
    import jax
    _d = setup_inputs()
    print(jax.jit(kernel)(*tuple(_d.values())))

</pallas_src>

<mosaic_0001>
#map = affine_map<(d0, d1) -> (0, 0)>
module attributes {stable_mosaic.version = 14 : i64} {
  func.func @_deg_body(%arg0: i32, %arg1: i32, %arg2: memref<2x320000xi32, #tpu.memory_space<hbm>>, %arg3: memref<32x10000xf32, #tpu.memory_space<hbm>>, %arg4: memref<10000xi32, #tpu.memory_space<vmem>>, %arg5: memref<10000xf32, #tpu.memory_space<vmem>>, %arg6: memref<!tpu.dma_semaphore, #tpu.memory_space<semaphore_mem>>) attributes {dimension_semantics = [#tpu.dimension_semantics<core_parallel>, #tpu.dimension_semantics<subcore_parallel>], iteration_bounds = array<i64: 2, 16>, scalar_prefetch = 0 : i64, scratch_operands = 3 : i64, tpu.core_type = #tpu.core_type<sc_vector_subcore>, window_params = [{transform_indices = #map}, {transform_indices = #map}]} {
    %mul3A = arith.constant 2 : i32
    %mul3A_0 = arith.muli %arg1, %mul3A : i32
    %add3A = arith.addi %mul3A_0, %arg0 : i32
    %mul3A_1 = arith.constant 10000 : i32
    %mul3A_2 = arith.muli %add3A, %mul3A_1 : i32
    %dma_start3A = arith.constant 1 : i32
    %dma_start3A_3 = tpu.memref_slice %arg2[%dma_start3A, %mul3A_2] : memref<2x320000xi32, #tpu.memory_space<hbm>> -> memref<1x10000xi32, #tpu.memory_space<hbm>>
    %dma_start3A_4 = tpu.memref_squeeze %dma_start3A_3 : memref<1x10000xi32, #tpu.memory_space<hbm>> -> memref<10000xi32, #tpu.memory_space<hbm>>
    %dma_start3A_5 = tpu.memref_slice %arg2[%dma_start3A, %mul3A_2] : memref<2x320000xi32, #tpu.memory_space<hbm>> -> memref<1x10000xi32, #tpu.memory_space<hbm>>
    %dma_start3A_6 = tpu.memref_squeeze %dma_start3A_5 : memref<1x10000xi32, #tpu.memory_space<hbm>> -> memref<10000xi32, #tpu.memory_space<hbm>>
    tpu.enqueue_dma source(%dma_start3A_6 : memref<10000xi32, #tpu.memory_space<hbm>>) target(%arg4 : memref<10000xi32, #tpu.memory_space<vmem>>) target_semaphore(%arg6 : memref<!tpu.dma_semaphore, #tpu.memory_space<semaphore_mem>>)
    %dma_wait3A = arith.constant 1 : i32
    %dma_wait3A_7 = tpu.memref_slice %arg2[%dma_wait3A, %mul3A_2] : memref<2x320000xi32, #tpu.memory_space<hbm>> -> memref<1x10000xi32, #tpu.memory_space<hbm>>
    %dma_wait3A_8 = tpu.memref_squeeze %dma_wait3A_7 : memref<1x10000xi32, #tpu.memory_space<hbm>> -> memref<10000xi32, #tpu.memory_space<hbm>>
    %dma_wait3A_9 = tpu.memref_slice %arg2[%dma_wait3A, %mul3A_2] : memref<2x320000xi32, #tpu.memory_space<hbm>> -> memref<1x10000xi32, #tpu.memory_space<hbm>>
    %dma_wait3A_10 = tpu.memref_squeeze %dma_wait3A_9 : memref<1x10000xi32, #tpu.memory_space<hbm>> -> memref<10000xi32, #tpu.memory_space<hbm>>
    tpu.wait_dma2 semaphore(%arg6 : memref<!tpu.dma_semaphore, #tpu.memory_space<semaphore_mem>>) src(%dma_wait3A_10 : memref<10000xi32, #tpu.memory_space<hbm>>) dst(%arg4 : memref<10000xi32, #tpu.memory_space<vmem>>)
    %broadcast_in_dim3A = arith.constant 0.000000e+00 : f32
    %broadcast_in_dim3A_11 = vector.broadcast %broadcast_in_dim3A : f32 to vector<16xf32>
    %scan3A = arith.constant 0 : i32
    %scan3A_12 = arith.constant 625 : i32
    %scan3A_13 = arith.addi %scan3A, %scan3A_12 : i32
    %scan3A_14 = arith.constant 1 : i32
    scf.for %scan3A_35 = %scan3A to %scan3A_13 step %scan3A_14  : i32 {
      %mul3A_36 = arith.constant 16 : i32
      %mul3A_37 = arith.muli %scan3A_35, %mul3A_36 : i32
      %add3A_38 = arith.constant 0 : i32
      %add3A_39 = arith.addi %add3A_38, %mul3A_37 : i32
      %swap3A = arith.index_cast %add3A_39 : i32 to index
      %swap3A_40 = tpu.vector_load %arg5[%swap3A] {strides = array<i32>} : memref<10000xf32, #tpu.memory_space<vmem>>, vector<16xf32>,
      tpu.vector_store %arg5[%swap3A], %broadcast_in_dim3A_11 {strides = array<i32>} : memref<10000xf32, #tpu.memory_space<vmem>>, vector<16xf32>,
    }
    %scan3A_15 = arith.constant 625 : i32
    %broadcast_in_dim3A_16 = arith.constant 1.000000e+00 : f32
    %broadcast_in_dim3A_17 = vector.broadcast %broadcast_in_dim3A_16 : f32 to vector<16xf32>
    %scan3A_18 = arith.constant 0 : i32
    %scan3A_19 = arith.constant 625 : i32
    %scan3A_20 = arith.addi %scan3A_18, %scan3A_19 : i32
    %scan3A_21 = arith.constant 1 : i32
    scf.for %scan3A_35 = %scan3A_18 to %scan3A_20 step %scan3A_21  : i32 {
      %mul3A_36 = arith.constant 16 : i32
      %mul3A_37 = arith.muli %scan3A_35, %mul3A_36 : i32
      %add3A_38 = arith.constant 0 : i32
      %add3A_39 = arith.addi %add3A_38, %mul3A_37 : i32
      %get3A = arith.index_cast %add3A_39 : i32 to index
      %get3A_40 = tpu.vector_load %arg4[%get3A] {strides = array<i32>} : memref<10000xi32, #tpu.memory_space<vmem>>, vector<16xi32>,
      tpu.vector_store_idx %arg5[%get3A_40], %broadcast_in_dim3A_17 {add = true} : memref<10000xf32, #tpu.memory_space<vmem>>[vector<16xi32>], vector<16xf32>,
    }
    %scan3A_22 = arith.constant 625 : i32
    %dma_start3A_23 = arith.constant 0 : i32
    %dma_start3A_24 = tpu.memref_slice %arg3[%add3A, %dma_start3A_23] : memref<32x10000xf32, #tpu.memory_space<hbm>> -> memref<1x10000xf32, #tpu.memory_space<hbm>>
    %dma_start3A_25 = tpu.memref_squeeze %dma_start3A_24 : memref<1x10000xf32, #tpu.memory_space<hbm>> -> memref<10000xf32, #tpu.memory_space<hbm>>
    %dma_start3A_26 = arith.constant 0 : i32
    %dma_start3A_27 = tpu.memref_slice %arg3[%add3A, %dma_start3A_26] : memref<32x10000xf32, #tpu.memory_space<hbm>> -> memref<1x10000xf32, #tpu.memory_space<hbm>>
    %dma_start3A_28 = tpu.memref_squeeze %dma_start3A_27 : memref<1x10000xf32, #tpu.memory_space<hbm>> -> memref<10000xf32, #tpu.memory_space<hbm>>
    tpu.enqueue_dma source(%arg5 : memref<10000xf32, #tpu.memory_space<vmem>>) target(%dma_start3A_28 : memref<10000xf32, #tpu.memory_space<hbm>>) target_semaphore(%arg6 : memref<!tpu.dma_semaphore, #tpu.memory_space<semaphore_mem>>)
    %dma_wait3A_29 = arith.constant 0 : i32
    %dma_wait3A_30 = tpu.memref_slice %arg3[%add3A, %dma_wait3A_29] : memref<32x10000xf32, #tpu.memory_space<hbm>> -> memref<1x10000xf32, #tpu.memory_space<hbm>>
    %dma_wait3A_31 = tpu.memref_squeeze %dma_wait3A_30 : memref<1x10000xf32, #tpu.memory_space<hbm>> -> memref<10000xf32, #tpu.memory_space<hbm>>
    %dma_wait3A_32 = arith.constant 0 : i32
    %dma_wait3A_33 = tpu.memref_slice %arg3[%add3A, %dma_wait3A_32] : memref<32x10000xf32, #tpu.memory_space<hbm>> -> memref<1x10000xf32, #tpu.memory_space<hbm>>
    %dma_wait3A_34 = tpu.memref_squeeze %dma_wait3A_33 : memref<1x10000xf32, #tpu.memory_space<hbm>> -> memref<10000xf32, #tpu.memory_space<hbm>>
    tpu.wait_dma2 semaphore(%arg6 : memref<!tpu.dma_semaphore, #tpu.memory_space<semaphore_mem>>) src(%arg5 : memref<10000xf32, #tpu.memory_space<vmem>>) dst(%dma_wait3A_34 : memref<10000xf32, #tpu.memory_space<hbm>>)
    return
  }
}

#map = affine_map<(d0, d1) -> (0, 0)>
#map1 = affine_map<(d0, d1) -> (0, 0, 0)>
module attributes {stable_mosaic.version = 14 : i64} {
  func.func @_agg_body(%arg0: i32, %arg1: i32, %arg2: memref<10000x128xf32, #tpu.memory_space<hbm>>, %arg3: memref<2x320000xi32, #tpu.memory_space<hbm>>, %arg4: memref<125x128xf32, #tpu.memory_space<hbm>>, %arg5: memref<2x10000x128xf32, #tpu.memory_space<hbm>>, %arg6: memref<10000xi32, #tpu.memory_space<vmem>>, %arg7: memref<10000xi32, #tpu.memory_space<vmem>>, %arg8: memref<80x128xf32, #tpu.memory_space<vmem>>, %arg9: memref<80x128xf32, #tpu.memory_space<vmem>>, %arg10: memref<80x128xf32, #tpu.memory_space<vmem>>, %arg11: memref<10000x128xf32, #tpu.memory_space<vmem_shared>>, %arg12: memref<!tpu.dma_semaphore, #tpu.memory_space<semaphore_mem>>, %arg13: memref<!tpu.dma_semaphore, #tpu.memory_space<semaphore_mem>>, %arg14: memref<!tpu.dma_semaphore, #tpu.memory_space<semaphore_mem>>, %arg15: memref<!tpu.dma_semaphore, #tpu.memory_space<semaphore_mem>>) attributes {dimension_semantics = [#tpu.dimension_semantics<core_parallel>, #tpu.dimension_semantics<subcore_parallel>], iteration_bounds = array<i64: 2, 16>, scalar_prefetch = 0 : i64, scratch_operands = 10 : i64, tpu.core_type = #tpu.core_type<sc_vector_subcore>, window_params = [{transform_indices = #map}, {transform_indices = #map}, {transform_indices = #map}, {transform_indices = #map1}]} {
    %mul3A = arith.constant 2 : i32
    %mul3A_0 = arith.muli %arg1, %mul3A : i32
    %add3A = arith.addi %mul3A_0, %arg0 : i32
    %mul3A_1 = arith.constant 10000 : i32
    %mul3A_2 = arith.muli %add3A, %mul3A_1 : i32
    %dma_start3A = arith.constant 0 : i32
    %dma_start3A_3 = tpu.memref_slice %arg3[%dma_start3A, %mul3A_2] : memref<2x320000xi32, #tpu.memory_space<hbm>> -> memref<1x10000xi32, #tpu.memory_space<hbm>>
    %dma_start3A_4 = tpu.memref_squeeze %dma_start3A_3 : memref<1x10000xi32, #tpu.memory_space<hbm>> -> memref<10000xi32, #tpu.memory_space<hbm>>
    %dma_start3A_5 = tpu.memref_slice %arg3[%dma_start3A, %mul3A_2] : memref<2x320000xi32, #tpu.memory_space<hbm>> -> memref<1x10000xi32, #tpu.memory_space<hbm>>
    %dma_start3A_6 = tpu.memref_squeeze %dma_start3A_5 : memref<1x10000xi32, #tpu.memory_space<hbm>> -> memref<10000xi32, #tpu.memory_space<hbm>>
    tpu.enqueue_dma source(%dma_start3A_6 : memref<10000xi32, #tpu.memory_space<hbm>>) target(%arg6 : memref<10000xi32, #tpu.memory_space<vmem>>) target_semaphore(%arg12 : memref<!tpu.dma_semaphore, #tpu.memory_space<semaphore_mem>>)
    %dma_start3A_7 = arith.constant 1 : i32
    %dma_start3A_8 = tpu.memref_slice %arg3[%dma_start3A_7, %mul3A_2] : memref<2x320000xi32, #tpu.memory_space<hbm>> -> memref<1x10000xi32, #tpu.memory_space<hbm>>
    %dma_start3A_9 = tpu.memref_squeeze %dma_start3A_8 : memref<1x10000xi32, #tpu.memory_space<hbm>> -> memref<10000xi32, #tpu.memory_space<hbm>>
    %dma_start3A_10 = tpu.memref_slice %arg3[%dma_start3A_7, %mul3A_2] : memref<2x320000xi32, #tpu.memory_space<hbm>> -> memref<1x10000xi32, #tpu.memory_space<hbm>>
    %dma_start3A_11 = tpu.memref_squeeze %dma_start3A_10 : memref<1x10000xi32, #tpu.memory_space<hbm>> -> memref<10000xi32, #tpu.memory_space<hbm>>
    tpu.enqueue_dma source(%dma_start3A_11 : memref<10000xi32, #tpu.memory_space<hbm>>) target(%arg7 : memref<10000xi32, #tpu.memory_space<vmem>>) target_semaphore(%arg12 : memref<!tpu.dma_semaphore, #tpu.memory_space<semaphore_mem>>)
    %scan3A = arith.constant 0 : i32
    %scan3A_12 = arith.constant 5 : i32
    %scan3A_13 = arith.addi %scan3A, %scan3A_12 : i32
    %scan3A_14 = arith.constant 1 : i32
    scf.for %scan3A_55 = %scan3A to %scan3A_13 step %scan3A_14  : i32 {
      %mul3A_56 = arith.constant 1 : i32
      %mul3A_57 = arith.muli %scan3A_55, %mul3A_56 : i32
      %add3A_58 = arith.constant 0 : i32
      %add3A_59 = arith.addi %add3A_58, %mul3A_57 : i32
      %mul3A_60 = arith.constant 625 : i32
      %mul3A_61 = arith.muli %arg1, %mul3A_60 : i32
      %mul3A_62 = arith.constant 125 : i32
      %mul3A_63 = arith.muli %add3A_59, %mul3A_62 : i32
      %add3A_64 = arith.addi %mul3A_61, %mul3A_63 : i32
      "tpu.region"() ({
        %run_scoped3A = tpu.sem_alloc : memref<!tpu.dma_semaphore, #tpu.memory_space<semaphore_mem>>
        %dma_start3A_65 = arith.constant 0 : i32
        %dma_start3A_66 = tpu.memref_slice %arg11[%add3A_64, %dma_start3A_65] : memref<10000x128xf32, #tpu.memory_space<vmem_shared>> -> memref<125x128xf32, #tpu.memory_space<vmem_shared>>
        tpu.enqueue_dma source(%arg4 : memref<125x128xf32, #tpu.memory_space<hbm>>) target(%dma_start3A_66 : memref<125x128xf32, #tpu.memory_space<vmem_shared>>) target_semaphore(%run_scoped3A : memref<!tpu.dma_semaphore, #tpu.memory_space<semaphore_mem>>)
        %dma_wait3A_67 = arith.constant 0 : i32
        %dma_wait3A_68 = tpu.memref_slice %arg11[%add3A_64, %dma_wait3A_67] : memref<10000x128xf32, #tpu.memory_space<vmem_shared>> -> memref<125x128xf32, #tpu.memory_space<vmem_shared>>
        tpu.wait_dma2 semaphore(%run_scoped3A : memref<!tpu.dma_semaphore, #tpu.memory_space<semaphore_mem>>) src(%arg4 : memref<125x128xf32, #tpu.memory_space<hbm>>) dst(%dma_wait3A_68 : memref<125x128xf32, #tpu.memory_space<vmem_shared>>)
        tpu.yield
      }) : () -> ()
    }
    %scan3A_15 = arith.constant 5 : i32
    %dma_wait3A = arith.constant 0 : i32
    %dma_wait3A_16 = tpu.memref_slice %arg3[%dma_wait3A, %mul3A_2] : memref<2x320000xi32, #tpu.memory_space<hbm>> -> memref<1x10000xi32, #tpu.memory_space<hbm>>
    %dma_wait3A_17 = tpu.memref_squeeze %dma_wait3A_16 : memref<1x10000xi32, #tpu.memory_space<hbm>> -> memref<10000xi32, #tpu.memory_space<hbm>>
    %dma_wait3A_18 = tpu.memref_slice %arg3[%dma_wait3A, %mul3A_2] : memref<2x320000xi32, #tpu.memory_space<hbm>> -> memref<1x10000xi32, #tpu.memory_space<hbm>>
    %dma_wait3A_19 = tpu.memref_squeeze %dma_wait3A_18 : memref<1x10000xi32, #tpu.memory_space<hbm>> -> memref<10000xi32, #tpu.memory_space<hbm>>
    tpu.wait_dma2 semaphore(%arg12 : memref<!tpu.dma_semaphore, #tpu.memory_space<semaphore_mem>>) src(%dma_wait3A_19 : memref<10000xi32, #tpu.memory_space<hbm>>) dst(%arg6 : memref<10000xi32, #tpu.memory_space<vmem>>)
    %dma_wait3A_20 = arith.constant 1 : i32
    %dma_wait3A_21 = tpu.memref_slice %arg3[%dma_wait3A_20, %mul3A_2] : memref<2x320000xi32, #tpu.memory_space<hbm>> -> memref<1x10000xi32, #tpu.memory_space<hbm>>
    %dma_wait3A_22 = tpu.memref_squeeze %dma_wait3A_21 : memref<1x10000xi32, #tpu.memory_space<hbm>> -> memref<10000xi32, #tpu.memory_space<hbm>>
    %dma_wait3A_23 = tpu.memref_slice %arg3[%dma_wait3A_20, %mul3A_2] : memref<2x320000xi32, #tpu.memory_space<hbm>> -> memref<1x10000xi32, #tpu.memory_space<hbm>>
    %dma_wait3A_24 = tpu.memref_squeeze %dma_wait3A_23 : memref<1x10000xi32, #tpu.memory_space<hbm>> -> memref<10000xi32, #tpu.memory_space<hbm>>
    tpu.wait_dma2 semaphore(%arg12 : memref<!tpu.dma_semaphore, #tpu.memory_space<semaphore_mem>>) src(%dma_wait3A_24 : memref<10000xi32, #tpu.memory_space<hbm>>) dst(%arg7 : memref<10000xi32, #tpu.memory_space<vmem>>)
    %dma_start3A_25 = arith.constant 0 : i32
    %dma_start3A_26 = tpu.memref_slice %arg6[%dma_start3A_25] : memref<10000xi32, #tpu.memory_space<vmem>> -> memref<80xi32, #tpu.memory_space<vmem>>
    %dma_start3A_27 = arith.constant 0 : i32
    %dma_start3A_28 = arith.constant 0 : i32
    %dma_start3A_29 = tpu.memref_slice %arg2[%dma_start3A_27, %dma_start3A_28] : memref<10000x128xf32, #tpu.memory_space<hbm>> -> memref<10000x128xf32, #tpu.memory_space<hbm>>
    tpu.enqueue_indirect_dma source(%dma_start3A_29 : memref<10000x128xf32, #tpu.memory_space<hbm>>) target(%arg8 : memref<80x128xf32, #tpu.memory_space<vmem>>) offsets(%dma_start3A_26 : memref<80xi32, #tpu.memory_space<vmem>>) semaphore(%arg13 : memref<!tpu.dma_semaphore, #tpu.memory_space<semaphore_mem>>)
    %dma_start3A_30 = arith.constant 80 : i32
    %dma_start3A_31 = tpu.memref_slice %arg6[%dma_start3A_30] : memref<10000xi32, #tpu.memory_space<vmem>> -> memref<80xi32, #tpu.memory_space<vmem>>
    %dma_start3A_32 = arith.constant 0 : i32
    %dma_start3A_33 = arith.constant 0 : i32
    %dma_start3A_34 = tpu.memref_slice %arg2[%dma_start3A_32, %dma_start3A_33] : memref<10000x128xf32, #tpu.memory_space<hbm>> -> memref<10000x128xf32, #tpu.memory_space<hbm>>
    tpu.enqueue_indirect_dma source(%dma_start3A_34 : memref<10000x128xf32, #tpu.memory_space<hbm>>) target(%arg9 : memref<80x128xf32, #tpu.memory_space<vmem>>) offsets(%dma_start3A_31 : memref<80xi32, #tpu.memory_space<vmem>>) semaphore(%arg14 : memref<!tpu.dma_semaphore, #tpu.memory_space<semaphore_mem>>)
    %barrier3A = arith.constant 0 : index
    tpu.barrier barrier_id(%barrier3A)
    %scan3A_35 = arith.constant 0 : i32
    %scan3A_36 = arith.constant 41 : i32
    %scan3A_37 = arith.addi %scan3A_35, %scan3A_36 : i32
    %scan3A_38 = arith.constant 1 : i32
    scf.for %scan3A_55 = %scan3A_35 to %scan3A_37 step %scan3A_38  : i32 {
      %mul3A_56 = arith.constant 3 : i32
      %mul3A_57 = arith.muli %scan3A_55, %mul3A_56 : i32
      %add3A_58 = arith.constant 0 : i32
      %add3A_59 = arith.addi %add3A_58, %mul3A_57 : i32
      %add3A_60 = arith.constant 0 : i32
      %add3A_61 = arith.addi %add3A_59, %add3A_60 : i32
      %add3A_62 = arith.constant 2 : i32
      %add3A_63 = arith.addi %add3A_61, %add3A_62 : i32
      %mul3A_64 = arith.constant 80 : i32
      %mul3A_65 = arith.muli %add3A_63, %mul3A_64 : i32
      %dma_start3A_66 = tpu.memref_slice %arg6[%mul3A_65] : memref<10000xi32, #tpu.memory_space<vmem>> -> memref<80xi32, #tpu.memory_space<vmem>>
      %dma_start3A_67 = arith.constant 0 : i32
      %dma_start3A_68 = arith.constant 0 : i32
      %dma_start3A_69 = tpu.memref_slice %arg2[%dma_start3A_67, %dma_start3A_68] : memref<10000x128xf32, #tpu.memory_space<hbm>> -> memref<10000x128xf32, #tpu.memory_space<hbm>>
      tpu.enqueue_indirect_dma source(%dma_start3A_69 : memref<10000x128xf32, #tpu.memory_space<hbm>>) target(%arg10 : memref<80x128xf32, #tpu.memory_space<vmem>>) offsets(%dma_start3A_66 : memref<80xi32, #tpu.memory_space<vmem>>) semaphore(%arg15 : memref<!tpu.dma_semaphore, #tpu.memory_space<semaphore_mem>>)
      %mul3A_70 = arith.constant 80 : i32
      %mul3A_71 = arith.muli %add3A_61, %mul3A_70 : i32
      %dma_wait3A_72 = tpu.memref_slice %arg6[%mul3A_71] : memref<10000xi32, #tpu.memory_space<vmem>> -> memref<80xi32, #tpu.memory_space<vmem>>
      %dma_wait3A_73 = arith.constant 0 : i32
      %dma_wait3A_74 = arith.constant 0 : i32
      %dma_wait3A_75 = tpu.memref_slice %arg2[%dma_wait3A_73, %dma_wait3A_74] : memref<10000x128xf32, #tpu.memory_space<hbm>> -> memref<10000x128xf32, #tpu.memory_space<hbm>>
      tpu.wait_indirect_dma semaphore(%arg13 : memref<!tpu.dma_semaphore, #tpu.memory_space<semaphore_mem>>) src(%dma_wait3A_75 : memref<10000x128xf32, #tpu.memory_space<hbm>>) dst(%arg8 : memref<80x128xf32, #tpu.memory_space<vmem>>)
      %mul3A_76 = arith.constant 80 : i32
      %mul3A_77 = arith.muli %add3A_61, %mul3A_76 : i32
      "tpu.region"() ({
        %run_scoped3A = tpu.sem_alloc : memref<!tpu.dma_semaphore, #tpu.memory_space<semaphore_mem>>
        %dma_start3A_114 = tpu.memref_slice %arg7[%mul3A_77] : memref<10000xi32, #tpu.memory_space<vmem>> -> memref<80xi32, #tpu.memory_space<vmem>>
        %dma_start3A_115 = arith.constant 0 : i32
        %dma_start3A_116 = arith.constant 0 : i32
        %dma_start3A_117 = tpu.memref_slice %arg11[%dma_start3A_115, %dma_start3A_116] : memref<10000x128xf32, #tpu.memory_space<vmem_shared>> -> memref<10000x128xf32, #tpu.memory_space<vmem_shared>>
        tpu.enqueue_indirect_dma source(%arg8 : memref<80x128xf32, #tpu.memory_space<vmem>>) target(%dma_start3A_117 : memref<10000x128xf32, #tpu.memory_space<vmem_shared>>) offsets(%dma_start3A_114 : memref<80xi32, #tpu.memory_space<vmem>>) semaphore(%run_scoped3A : memref<!tpu.dma_semaphore, #tpu.memory_space<semaphore_mem>>) {add = true}
        %dma_wait3A_118 = tpu.memref_slice %arg7[%mul3A_77] : memref<10000xi32, #tpu.memory_space<vmem>> -> memref<80xi32, #tpu.memory_space<vmem>>
        %dma_wait3A_119 = arith.constant 0 : i32
        %dma_wait3A_120 = arith.constant 0 : i32
        %dma_wait3A_121 = tpu.memref_slice %arg11[%dma_wait3A_119, %dma_wait3A_120] : memref<10000x128xf32, #tpu.memory_space<vmem_shared>> -> memref<10000x128xf32, #tpu.memory_space<vmem_shared>>
        tpu.wait_indirect_dma semaphore(%run_scoped3A : memref<!tpu.dma_semaphore, #tpu.memory_space<semaphore_mem>>) src(%arg8 : memref<80x128xf32, #tpu.memory_space<vmem>>) dst(%dma_wait3A_121 : memref<10000x128xf32, #tpu.memory_space<vmem_shared>>)
        tpu.yield
      }) : () -> ()
      %add3A_78 = arith.constant 1 : i32
      %add3A_79 = arith.addi %add3A_59, %add3A_78 : i32
      %add3A_80 = arith.constant 2 : i32
      %add3A_81 = arith.addi %add3A_79, %add3A_80 : i32
      %mul3A_82 = arith.constant 80 : i32
      %mul3A_83 = arith.muli %add3A_81, %mul3A_82 : i32
      %dma_start3A_84 = tpu.memref_slice %arg6[%mul3A_83] : memref<10000xi32, #tpu.memory_space<vmem>> -> memref<80xi32, #tpu.memory_space<vmem>>
      %dma_start3A_85 = arith.constant 0 : i32
      %dma_start3A_86 = arith.constant 0 : i32
      %dma_start3A_87 = tpu.memref_slice %arg2[%dma_start3A_85, %dma_start3A_86] : memref<10000x128xf32, #tpu.memory_space<hbm>> -> memref<10000x128xf32, #tpu.memory_space<hbm>>
      tpu.enqueue_indirect_dma source(%dma_start3A_87 : memref<10000x128xf32, #tpu.memory_space<hbm>>) target(%arg8 : memref<80x128xf32, #tpu.memory_space<vmem>>) offsets(%dma_start3A_84 : memref<80xi32, #tpu.memory_space<vmem>>) semaphore(%arg13 : memref<!tpu.dma_semaphore, #tpu.memory_space<semaphore_mem>>)
      %mul3A_88 = arith.constant 80 : i32
      %mul3A_89 = arith.muli %add3A_79, %mul3A_88 : i32
      %dma_wait3A_90 = tpu.memref_slice %arg6[%mul3A_89] : memref<10000xi32, #tpu.memory_space<vmem>> -> memref<80xi32, #tpu.memory_space<vmem>>
      %dma_wait3A_91 = arith.constant 0 : i32
      %dma_wait3A_92 = arith.constant 0 : i32
      %dma_wait3A_93 = tpu.memref_slice %arg2[%dma_wait3A_91, %dma_wait3A_92] : memref<10000x128xf32, #tpu.memory_space<hbm>> -> memref<10000x128xf32, #tpu.memory_space<hbm>>
      tpu.wait_indirect_dma semaphore(%arg14 : memref<!tpu.dma_semaphore, #tpu.memory_space<semaphore_mem>>) src(%dma_wait3A_93 : memref<10000x128xf32, #tpu.memory_space<hbm>>) dst(%arg9 : memref<80x128xf32, #tpu.memory_space<vmem>>)
      %mul3A_94 = arith.constant 80 : i32
      %mul3A_95 = arith.muli %add3A_79, %mul3A_94 : i32
      "tpu.region"() ({
        %run_scoped3A = tpu.sem_alloc : memref<!tpu.dma_semaphore, #tpu.memory_space<semaphore_mem>>
        %dma_start3A_114 = tpu.memref_slice %arg7[%mul3A_95] : memref<10000xi32, #tpu.memory_space<vmem>> -> memref<80xi32, #tpu.memory_space<vmem>>
        %dma_start3A_115 = arith.constant 0 : i32
        %dma_start3A_116 = arith.constant 0 : i32
        %dma_start3A_117 = tpu.memref_slice %arg11[%dma_start3A_115, %dma_start3A_116] : memref<10000x128xf32, #tpu.memory_space<vmem_shared>> -> memref<10000x128xf32, #tpu.memory_space<vmem_shared>>
        tpu.enqueue_indirect_dma source(%arg9 : memref<80x128xf32, #tpu.memory_space<vmem>>) target(%dma_start3A_117 : memref<10000x128xf32, #tpu.memory_space<vmem_shared>>) offsets(%dma_start3A_114 : memref<80xi32, #tpu.memory_space<vmem>>) semaphore(%run_scoped3A : memref<!tpu.dma_semaphore, #tpu.memory_space<semaphore_mem>>) {add = true}
        %dma_wait3A_118 = tpu.memref_slice %arg7[%mul3A_95] : memref<10000xi32, #tpu.memory_space<vmem>> -> memref<80xi32, #tpu.memory_space<vmem>>
        %dma_wait3A_119 = arith.constant 0 : i32
        %dma_wait3A_120 = arith.constant 0 : i32
        %dma_wait3A_121 = tpu.memref_slice %arg11[%dma_wait3A_119, %dma_wait3A_120] : memref<10000x128xf32, #tpu.memory_space<vmem_shared>> -> memref<10000x128xf32, #tpu.memory_space<vmem_shared>>
        tpu.wait_indirect_dma semaphore(%run_scoped3A : memref<!tpu.dma_semaphore, #tpu.memory_space<semaphore_mem>>) src(%arg9 : memref<80x128xf32, #tpu.memory_space<vmem>>) dst(%dma_wait3A_121 : memref<10000x128xf32, #tpu.memory_space<vmem_shared>>)
        tpu.yield
      }) : () -> ()
      %add3A_96 = arith.constant 2 : i32
      %add3A_97 = arith.addi %add3A_59, %add3A_96 : i32
      %add3A_98 = arith.constant 2 : i32
      %add3A_99 = arith.addi %add3A_97, %add3A_98 : i32
      %mul3A_100 = arith.constant 80 : i32
      %mul3A_101 = arith.muli %add3A_99, %mul3A_100 : i32
      %dma_start3A_102 = tpu.memref_slice %arg6[%mul3A_101] : memref<10000xi32, #tpu.memory_space<vmem>> -> memref<80xi32, #tpu.memory_space<vmem>>
      %dma_start3A_103 = arith.constant 0 : i32
      %dma_start3A_104 = arith.constant 0 : i32
      %dma_start3A_105 = tpu.memref_slice %arg2[%dma_start3A_103, %dma_start3A_104] : memref<10000x128xf32, #tpu.memory_space<hbm>> -> memref<10000x128xf32, #tpu.memory_space<hbm>>
      tpu.enqueue_indirect_dma source(%dma_start3A_105 : memref<10000x128xf32, #tpu.memory_space<hbm>>) target(%arg9 : memref<80x128xf32, #tpu.memory_space<vmem>>) offsets(%dma_start3A_102 : memref<80xi32, #tpu.memory_space<vmem>>) semaphore(%arg14 : memref<!tpu.dma_semaphore, #tpu.memory_space<semaphore_mem>>)
      %mul3A_106 = arith.constant 80 : i32
      %mul3A_107 = arith.muli %add3A_97, %mul3A_106 : i32
      %dma_wait3A_108 = tpu.memref_slice %arg6[%mul3A_107] : memref<10000xi32, #tpu.memory_space<vmem>> -> memref<80xi32, #tpu.memory_space<vmem>>
      %dma_wait3A_109 = arith.constant 0 : i32
      %dma_wait3A_110 = arith.constant 0 : i32
      %dma_wait3A_111 = tpu.memref_slice %arg2[%dma_wait3A_109, %dma_wait3A_110] : memref<10000x128xf32, #tpu.memory_space<hbm>> -> memref<10000x128xf32, #tpu.memory_space<hbm>>
      tpu.wait_indirect_dma semaphore(%arg15 : memref<!tpu.dma_semaphore, #tpu.memory_space<semaphore_mem>>) src(%dma_wait3A_111 : memref<10000x128xf32, #tpu.memory_space<hbm>>) dst(%arg10 : memref<80x128xf32, #tpu.memory_space<vmem>>)
      %mul3A_112 = arith.constant 80 : i32
      %mul3A_113 = arith.muli %add3A_97, %mul3A_112 : i32
      "tpu.region"() ({
        %run_scoped3A = tpu.sem_alloc : memref<!tpu.dma_semaphore, #tpu.memory_space<semaphore_mem>>
        %dma_start3A_114 = tpu.memref_slice %arg7[%mul3A_113] : memref<10000xi32, #tpu.memory_space<vmem>> -> memref<80xi32, #tpu.memory_space<vmem>>
        %dma_start3A_115 = arith.constant 0 : i32
        %dma_start3A_116 = arith.constant 0 : i32
        %dma_start3A_117 = tpu.memref_slice %arg11[%dma_start3A_115, %dma_start3A_116] : memref<10000x128xf32, #tpu.memory_space<vmem_shared>> -> memref<10000x128xf32, #tpu.memory_space<vmem_shared>>
        tpu.enqueue_indirect_dma source(%arg10 : memref<80x128xf32, #tpu.memory_space<vmem>>) target(%dma_start3A_117 : memref<10000x128xf32, #tpu.memory_space<vmem_shared>>) offsets(%dma_start3A_114 : memref<80xi32, #tpu.memory_space<vmem>>) semaphore(%run_scoped3A : memref<!tpu.dma_semaphore, #tpu.memory_space<semaphore_mem>>) {add = true}
        %dma_wait3A_118 = tpu.memref_slice %arg7[%mul3A_113] : memref<10000xi32, #tpu.memory_space<vmem>> -> memref<80xi32, #tpu.memory_space<vmem>>
        %dma_wait3A_119 = arith.constant 0 : i32
        %dma_wait3A_120 = arith.constant 0 : i32
        %dma_wait3A_121 = tpu.memref_slice %arg11[%dma_wait3A_119, %dma_wait3A_120] : memref<10000x128xf32, #tpu.memory_space<vmem_shared>> -> memref<10000x128xf32, #tpu.memory_space<vmem_shared>>
        tpu.wait_indirect_dma semaphore(%run_scoped3A : memref<!tpu.dma_semaphore, #tpu.memory_space<semaphore_mem>>) src(%arg10 : memref<80x128xf32, #tpu.memory_space<vmem>>) dst(%dma_wait3A_121 : memref<10000x128xf32, #tpu.memory_space<vmem_shared>>)
        tpu.yield
      }) : () -> ()
    }
    %scan3A_39 = arith.constant 41 : i32
    %dma_wait3A_40 = arith.constant 9840 : i32
    %dma_wait3A_41 = tpu.memref_slice %arg6[%dma_wait3A_40] : memref<10000xi32, #tpu.memory_space<vmem>> -> memref<80xi32, #tpu.memory_space<vmem>>
    %dma_wait3A_42 = arith.constant 0 : i32
    %dma_wait3A_43 = arith.constant 0 : i32
    %dma_wait3A_44 = tpu.memref_slice %arg2[%dma_wait3A_42, %dma_wait3A_43] : memref<10000x128xf32, #tpu.memory_space<hbm>> -> memref<10000x128xf32, #tpu.memory_space<hbm>>
    tpu.wait_indirect_dma semaphore(%arg13 : memref<!tpu.dma_semaphore, #tpu.memory_space<semaphore_mem>>) src(%dma_wait3A_44 : memref<10000x128xf32, #tpu.memory_space<hbm>>) dst(%arg8 : memref<80x128xf32, #tpu.memory_space<vmem>>)
    "tpu.region"() ({
      %run_scoped3A = tpu.sem_alloc : memref<!tpu.dma_semaphore, #tpu.memory_space<semaphore_mem>>
      %dma_start3A_55 = arith.constant 9840 : i32
      %dma_start3A_56 = tpu.memref_slice %arg7[%dma_start3A_55] : memref<10000xi32, #tpu.memory_space<vmem>> -> memref<80xi32, #tpu.memory_space<vmem>>
      %dma_start3A_57 = arith.constant 0 : i32
      %dma_start3A_58 = arith.constant 0 : i32
      %dma_start3A_59 = tpu.memref_slice %arg11[%dma_start3A_57, %dma_start3A_58] : memref<10000x128xf32, #tpu.memory_space<vmem_shared>> -> memref<10000x128xf32, #tpu.memory_space<vmem_shared>>
      tpu.enqueue_indirect_dma source(%arg8 : memref<80x128xf32, #tpu.memory_space<vmem>>) target(%dma_start3A_59 : memref<10000x128xf32, #tpu.memory_space<vmem_shared>>) offsets(%dma_start3A_56 : memref<80xi32, #tpu.memory_space<vmem>>) semaphore(%run_scoped3A : memref<!tpu.dma_semaphore, #tpu.memory_space<semaphore_mem>>) {add = true}
      %dma_wait3A_60 = arith.constant 9840 : i32
      %dma_wait3A_61 = tpu.memref_slice %arg7[%dma_wait3A_60] : memref<10000xi32, #tpu.memory_space<vmem>> -> memref<80xi32, #tpu.memory_space<vmem>>
      %dma_wait3A_62 = arith.constant 0 : i32
      %dma_wait3A_63 = arith.constant 0 : i32
      %dma_wait3A_64 = tpu.memref_slice %arg11[%dma_wait3A_62, %dma_wait3A_63] : memref<10000x128xf32, #tpu.memory_space<vmem_shared>> -> memref<10000x128xf32, #tpu.memory_space<vmem_shared>>
      tpu.wait_indirect_dma semaphore(%run_scoped3A : memref<!tpu.dma_semaphore, #tpu.memory_space<semaphore_mem>>) src(%arg8 : memref<80x128xf32, #tpu.memory_space<vmem>>) dst(%dma_wait3A_64 : memref<10000x128xf32, #tpu.memory_space<vmem_shared>>)
      tpu.yield
    }) : () -> ()
    %dma_wait3A_45 = arith.constant 9920 : i32
    %dma_wait3A_46 = tpu.memref_slice %arg6[%dma_wait3A_45] : memref<10000xi32, #tpu.memory_space<vmem>> -> memref<80xi32, #tpu.memory_space<vmem>>
    %dma_wait3A_47 = arith.constant 0 : i32
    %dma_wait3A_48 = arith.constant 0 : i32
    %dma_wait3A_49 = tpu.memref_slice %arg2[%dma_wait3A_47, %dma_wait3A_48] : memref<10000x128xf32, #tpu.memory_space<hbm>> -> memref<10000x128xf32, #tpu.memory_space<hbm>>
    tpu.wait_indirect_dma semaphore(%arg14 : memref<!tpu.dma_semaphore, #tpu.memory_space<semaphore_mem>>) src(%dma_wait3A_49 : memref<10000x128xf32, #tpu.memory_space<hbm>>) dst(%arg9 : memref<80x128xf32, #tpu.memory_space<vmem>>)
    "tpu.region"() ({
      %run_scoped3A = tpu.sem_alloc : memref<!tpu.dma_semaphore, #tpu.memory_space<semaphore_mem>>
      %dma_start3A_55 = arith.constant 9920 : i32
      %dma_start3A_56 = tpu.memref_slice %arg7[%dma_start3A_55] : memref<10000xi32, #tpu.memory_space<vmem>> -> memref<80xi32, #tpu.memory_space<vmem>>
      %dma_start3A_57 = arith.constant 0 : i32
      %dma_start3A_58 = arith.constant 0 : i32
      %dma_start3A_59 = tpu.memref_slice %arg11[%dma_start3A_57, %dma_start3A_58] : memref<10000x128xf32, #tpu.memory_space<vmem_shared>> -> memref<10000x128xf32, #tpu.memory_space<vmem_shared>>
      tpu.enqueue_indirect_dma source(%arg9 : memref<80x128xf32, #tpu.memory_space<vmem>>) target(%dma_start3A_59 : memref<10000x128xf32, #tpu.memory_space<vmem_shared>>) offsets(%dma_start3A_56 : memref<80xi32, #tpu.memory_space<vmem>>) semaphore(%run_scoped3A : memref<!tpu.dma_semaphore, #tpu.memory_space<semaphore_mem>>) {add = true}
      %dma_wait3A_60 = arith.constant 9920 : i32
      %dma_wait3A_61 = tpu.memref_slice %arg7[%dma_wait3A_60] : memref<10000xi32, #tpu.memory_space<vmem>> -> memref<80xi32, #tpu.memory_space<vmem>>
      %dma_wait3A_62 = arith.constant 0 : i32
      %dma_wait3A_63 = arith.constant 0 : i32
      %dma_wait3A_64 = tpu.memref_slice %arg11[%dma_wait3A_62, %dma_wait3A_63] : memref<10000x128xf32, #tpu.memory_space<vmem_shared>> -> memref<10000x128xf32, #tpu.memory_space<vmem_shared>>
      tpu.wait_indirect_dma semaphore(%run_scoped3A : memref<!tpu.dma_semaphore, #tpu.memory_space<semaphore_mem>>) src(%arg9 : memref<80x128xf32, #tpu.memory_space<vmem>>) dst(%dma_wait3A_64 : memref<10000x128xf32, #tpu.memory_space<vmem_shared>>)
      tpu.yield
    }) : () -> ()
    %barrier3A_50 = arith.constant 0 : index
    tpu.barrier barrier_id(%barrier3A_50)
    %mul3A_51 = arith.constant 625 : i32
    %mul3A_52 = arith.muli %arg1, %mul3A_51 : i32
    %mul3A_53 = arith.constant 625 : i32
    %mul3A_54 = arith.muli %arg1, %mul3A_53 : i32
    "tpu.region"() ({
      %run_scoped3A = tpu.sem_alloc : memref<!tpu.dma_semaphore, #tpu.memory_space<semaphore_mem>>
      %dma_start3A_55 = arith.constant 0 : i32
      %dma_start3A_56 = arith.constant 0 : i32
      %dma_start3A_57 = tpu.memref_slice %arg5[%arg0, %dma_start3A_55, %dma_start3A_56] : memref<2x10000x128xf32, #tpu.memory_space<hbm>> -> memref<1x10000x128xf32, #tpu.memory_space<hbm>>
      %dma_start3A_58 = tpu.memref_squeeze %dma_start3A_57 : memref<1x10000x128xf32, #tpu.memory_space<hbm>> -> memref<10000x128xf32, #tpu.memory_space<hbm>>
      %dma_start3A_59 = arith.constant 0 : i32
      %dma_start3A_60 = tpu.memref_slice %dma_start3A_58[%mul3A_54, %dma_start3A_59] : memref<10000x128xf32, #tpu.memory_space<hbm>> -> memref<625x128xf32, #tpu.memory_space<hbm>>
      %dma_start3A_61 = arith.constant 0 : i32
      %dma_start3A_62 = tpu.memref_slice %arg11[%mul3A_52, %dma_start3A_61] : memref<10000x128xf32, #tpu.memory_space<vmem_shared>> -> memref<625x128xf32, #tpu.memory_space<vmem_shared>>
      tpu.enqueue_dma source(%dma_start3A_62 : memref<625x128xf32, #tpu.memory_space<vmem_shared>>) target(%dma_start3A_60 : memref<625x128xf32, #tpu.memory_space<hbm>>) target_semaphore(%run_scoped3A : memref<!tpu.dma_semaphore, #tpu.memory_space<semaphore_mem>>)
      %dma_wait3A_63 = arith.constant 0 : i32
      %dma_wait3A_64 = arith.constant 0 : i32
      %dma_wait3A_65 = tpu.memref_slice %arg5[%arg0, %dma_wait3A_63, %dma_wait3A_64] : memref<2x10000x128xf32, #tpu.memory_space<hbm>> -> memref<1x10000x128xf32, #tpu.memory_space<hbm>>
      %dma_wait3A_66 = tpu.memref_squeeze %dma_wait3A_65 : memref<1x10000x128xf32, #tpu.memory_space<hbm>> -> memref<10000x128xf32, #tpu.memory_space<hbm>>
      %dma_wait3A_67 = arith.constant 0 : i32
      %dma_wait3A_68 = tpu.memref_slice %dma_wait3A_66[%mul3A_54, %dma_wait3A_67] : memref<10000x128xf32, #tpu.memory_space<hbm>> -> memref<625x128xf32, #tpu.memory_space<hbm>>
      %dma_wait3A_69 = arith.constant 0 : i32
      %dma_wait3A_70 = tpu.memref_slice %arg11[%mul3A_52, %dma_wait3A_69] : memref<10000x128xf32, #tpu.memory_space<vmem_shared>> -> memref<625x128xf32, #tpu.memory_space<vmem_shared>>
      tpu.wait_dma2 semaphore(%run_scoped3A : memref<!tpu.dma_semaphore, #tpu.memory_space<semaphore_mem>>) src(%dma_wait3A_70 : memref<625x128xf32, #tpu.memory_space<vmem_shared>>) dst(%dma_wait3A_68 : memref<625x128xf32, #tpu.memory_space<hbm>>)
      tpu.yield
    }) : () -> ()
    return
  }
}

#map = affine_map<(d0, d1) -> (0, 0)>
#map1 = affine_map<(d0, d1) -> (0, 0, 0)>
module attributes {stable_mosaic.version = 14 : i64} {
  func.func @_agg_body(%arg0: i32, %arg1: i32, %arg2: memref<10000x128xf32, #tpu.memory_space<hbm>>, %arg3: memref<2x320000xi32, #tpu.memory_space<hbm>>, %arg4: memref<125x128xf32, #tpu.memory_space<hbm>>, %arg5: memref<2x10000x128xf32, #tpu.memory_space<hbm>>, %arg6: memref<10000xi32, #tpu.memory_space<vmem>>, %arg7: memref<10000xi32, #tpu.memory_space<vmem>>, %arg8: memref<80x128xf32, #tpu.memory_space<vmem>>, %arg9: memref<80x128xf32, #tpu.memory_space<vmem>>, %arg10: memref<80x128xf32, #tpu.memory_space<vmem>>, %arg11: memref<10000x128xf32, #tpu.memory_space<vmem_shared>>, %arg12: memref<!tpu.dma_semaphore, #tpu.memory_space<semaphore_mem>>, %arg13: memref<!tpu.dma_semaphore, #tpu.memory_space<semaphore_mem>>, %arg14: memref<!tpu.dma_semaphore, #tpu.memory_space<semaphore_mem>>, %arg15: memref<!tpu.dma_semaphore, #tpu.memory_space<semaphore_mem>>) attributes {dimension_semantics = [#tpu.dimension_semantics<core_parallel>, #tpu.dimension_semantics<subcore_parallel>], iteration_bounds = array<i64: 2, 16>, scalar_prefetch = 0 : i64, scratch_operands = 10 : i64, tpu.core_type = #tpu.core_type<sc_vector_subcore>, window_params = [{transform_indices = #map}, {transform_indices = #map}, {transform_indices = #map}, {transform_indices = #map1}]} {
    %mul3A = arith.constant 2 : i32
    %mul3A_0 = arith.muli %arg1, %mul3A : i32
    %add3A = arith.addi %mul3A_0, %arg0 : i32
    %mul3A_1 = arith.constant 10000 : i32
    %mul3A_2 = arith.muli %add3A, %mul3A_1 : i32
    %dma_start3A = arith.constant 0 : i32
    %dma_start3A_3 = tpu.memref_slice %arg3[%dma_start3A, %mul3A_2] : memref<2x320000xi32, #tpu.memory_space<hbm>> -> memref<1x10000xi32, #tpu.memory_space<hbm>>
    %dma_start3A_4 = tpu.memref_squeeze %dma_start3A_3 : memref<1x10000xi32, #tpu.memory_space<hbm>> -> memref<10000xi32, #tpu.memory_space<hbm>>
    %dma_start3A_5 = tpu.memref_slice %arg3[%dma_start3A, %mul3A_2] : memref<2x320000xi32, #tpu.memory_space<hbm>> -> memref<1x10000xi32, #tpu.memory_space<hbm>>
    %dma_start3A_6 = tpu.memref_squeeze %dma_start3A_5 : memref<1x10000xi32, #tpu.memory_space<hbm>> -> memref<10000xi32, #tpu.memory_space<hbm>>
    tpu.enqueue_dma source(%dma_start3A_6 : memref<10000xi32, #tpu.memory_space<hbm>>) target(%arg6 : memref<10000xi32, #tpu.memory_space<vmem>>) target_semaphore(%arg12 : memref<!tpu.dma_semaphore, #tpu.memory_space<semaphore_mem>>)
    %dma_start3A_7 = arith.constant 1 : i32
    %dma_start3A_8 = tpu.memref_slice %arg3[%dma_start3A_7, %mul3A_2] : memref<2x320000xi32, #tpu.memory_space<hbm>> -> memref<1x10000xi32, #tpu.memory_space<hbm>>
    %dma_start3A_9 = tpu.memref_squeeze %dma_start3A_8 : memref<1x10000xi32, #tpu.memory_space<hbm>> -> memref<10000xi32, #tpu.memory_space<hbm>>
    %dma_start3A_10 = tpu.memref_slice %arg3[%dma_start3A_7, %mul3A_2] : memref<2x320000xi32, #tpu.memory_space<hbm>> -> memref<1x10000xi32, #tpu.memory_space<hbm>>
    %dma_start3A_11 = tpu.memref_squeeze %dma_start3A_10 : memref<1x10000xi32, #tpu.memory_space<hbm>> -> memref<10000xi32, #tpu.memory_space<hbm>>
    tpu.enqueue_dma source(%dma_start3A_11 : memref<10000xi32, #tpu.memory_space<hbm>>) target(%arg7 : memref<10000xi32, #tpu.memory_space<vmem>>) target_semaphore(%arg12 : memref<!tpu.dma_semaphore, #tpu.memory_space<semaphore_mem>>)
    %scan3A = arith.constant 0 : i32
    %scan3A_12 = arith.constant 5 : i32
    %scan3A_13 = arith.addi %scan3A, %scan3A_12 : i32
    %scan3A_14 = arith.constant 1 : i32
    scf.for %scan3A_55 = %scan3A to %scan3A_13 step %scan3A_14  : i32 {
      %mul3A_56 = arith.constant 1 : i32
      %mul3A_57 = arith.muli %scan3A_55, %mul3A_56 : i32
      %add3A_58 = arith.constant 0 : i32
      %add3A_59 = arith.addi %add3A_58, %mul3A_57 : i32
      %mul3A_60 = arith.constant 625 : i32
      %mul3A_61 = arith.muli %arg1, %mul3A_60 : i32
      %mul3A_62 = arith.constant 125 : i32
      %mul3A_63 = arith.muli %add3A_59, %mul3A_62 : i32
      %add3A_64 = arith.addi %mul3A_61, %mul3A_63 : i32
      "tpu.region"() ({
        %run_scoped3A = tpu.sem_alloc : memref<!tpu.dma_semaphore, #tpu.memory_space<semaphore_mem>>
        %dma_start3A_65 = arith.constant 0 : i32
        %dma_start3A_66 = tpu.memref_slice %arg11[%add3A_64, %dma_start3A_65] : memref<10000x128xf32, #tpu.memory_space<vmem_shared>> -> memref<125x128xf32, #tpu.memory_space<vmem_shared>>
        tpu.enqueue_dma source(%arg4 : memref<125x128xf32, #tpu.memory_space<hbm>>) target(%dma_start3A_66 : memref<125x128xf32, #tpu.memory_space<vmem_shared>>) target_semaphore(%run_scoped3A : memref<!tpu.dma_semaphore, #tpu.memory_space<semaphore_mem>>)
        %dma_wait3A_67 = arith.constant 0 : i32
        %dma_wait3A_68 = tpu.memref_slice %arg11[%add3A_64, %dma_wait3A_67] : memref<10000x128xf32, #tpu.memory_space<vmem_shared>> -> memref<125x128xf32, #tpu.memory_space<vmem_shared>>
        tpu.wait_dma2 semaphore(%run_scoped3A : memref<!tpu.dma_semaphore, #tpu.memory_space<semaphore_mem>>) src(%arg4 : memref<125x128xf32, #tpu.memory_space<hbm>>) dst(%dma_wait3A_68 : memref<125x128xf32, #tpu.memory_space<vmem_shared>>)
        tpu.yield
      }) : () -> ()
    }
    %scan3A_15 = arith.constant 5 : i32
    %dma_wait3A = arith.constant 0 : i32
    %dma_wait3A_16 = tpu.memref_slice %arg3[%dma_wait3A, %mul3A_2] : memref<2x320000xi32, #tpu.memory_space<hbm>> -> memref<1x10000xi32, #tpu.memory_space<hbm>>
    %dma_wait3A_17 = tpu.memref_squeeze %dma_wait3A_16 : memref<1x10000xi32, #tpu.memory_space<hbm>> -> memref<10000xi32, #tpu.memory_space<hbm>>
    %dma_wait3A_18 = tpu.memref_slice %arg3[%dma_wait3A, %mul3A_2] : memref<2x320000xi32, #tpu.memory_space<hbm>> -> memref<1x10000xi32, #tpu.memory_space<hbm>>
    %dma_wait3A_19 = tpu.memref_squeeze %dma_wait3A_18 : memref<1x10000xi32, #tpu.memory_space<hbm>> -> memref<10000xi32, #tpu.memory_space<hbm>>
    tpu.wait_dma2 semaphore(%arg12 : memref<!tpu.dma_semaphore, #tpu.memory_space<semaphore_mem>>) src(%dma_wait3A_19 : memref<10000xi32, #tpu.memory_space<hbm>>) dst(%arg6 : memref<10000xi32, #tpu.memory_space<vmem>>)
    %dma_wait3A_20 = arith.constant 1 : i32
    %dma_wait3A_21 = tpu.memref_slice %arg3[%dma_wait3A_20, %mul3A_2] : memref<2x320000xi32, #tpu.memory_space<hbm>> -> memref<1x10000xi32, #tpu.memory_space<hbm>>
    %dma_wait3A_22 = tpu.memref_squeeze %dma_wait3A_21 : memref<1x10000xi32, #tpu.memory_space<hbm>> -> memref<10000xi32, #tpu.memory_space<hbm>>
    %dma_wait3A_23 = tpu.memref_slice %arg3[%dma_wait3A_20, %mul3A_2] : memref<2x320000xi32, #tpu.memory_space<hbm>> -> memref<1x10000xi32, #tpu.memory_space<hbm>>
    %dma_wait3A_24 = tpu.memref_squeeze %dma_wait3A_23 : memref<1x10000xi32, #tpu.memory_space<hbm>> -> memref<10000xi32, #tpu.memory_space<hbm>>
    tpu.wait_dma2 semaphore(%arg12 : memref<!tpu.dma_semaphore, #tpu.memory_space<semaphore_mem>>) src(%dma_wait3A_24 : memref<10000xi32, #tpu.memory_space<hbm>>) dst(%arg7 : memref<10000xi32, #tpu.memory_space<vmem>>)
    %dma_start3A_25 = arith.constant 0 : i32
    %dma_start3A_26 = tpu.memref_slice %arg6[%dma_start3A_25] : memref<10000xi32, #tpu.memory_space<vmem>> -> memref<80xi32, #tpu.memory_space<vmem>>
    %dma_start3A_27 = arith.constant 0 : i32
    %dma_start3A_28 = arith.constant 0 : i32
    %dma_start3A_29 = tpu.memref_slice %arg2[%dma_start3A_27, %dma_start3A_28] : memref<10000x128xf32, #tpu.memory_space<hbm>> -> memref<10000x128xf32, #tpu.memory_space<hbm>>
    tpu.enqueue_indirect_dma source(%dma_start3A_29 : memref<10000x128xf32, #tpu.memory_space<hbm>>) target(%arg8 : memref<80x128xf32, #tpu.memory_space<vmem>>) offsets(%dma_start3A_26 : memref<80xi32, #tpu.memory_space<vmem>>) semaphore(%arg13 : memref<!tpu.dma_semaphore, #tpu.memory_space<semaphore_mem>>)
    %dma_start3A_30 = arith.constant 80 : i32
    %dma_start3A_31 = tpu.memref_slice %arg6[%dma_start3A_30] : memref<10000xi32, #tpu.memory_space<vmem>> -> memref<80xi32, #tpu.memory_space<vmem>>
    %dma_start3A_32 = arith.constant 0 : i32
    %dma_start3A_33 = arith.constant 0 : i32
    %dma_start3A_34 = tpu.memref_slice %arg2[%dma_start3A_32, %dma_start3A_33] : memref<10000x128xf32, #tpu.memory_space<hbm>> -> memref<10000x128xf32, #tpu.memory_space<hbm>>
    tpu.enqueue_indirect_dma source(%dma_start3A_34 : memref<10000x128xf32, #tpu.memory_space<hbm>>) target(%arg9 : memref<80x128xf32, #tpu.memory_space<vmem>>) offsets(%dma_start3A_31 : memref<80xi32, #tpu.memory_space<vmem>>) semaphore(%arg14 : memref<!tpu.dma_semaphore, #tpu.memory_space<semaphore_mem>>)
    %barrier3A = arith.constant 0 : index
    tpu.barrier barrier_id(%barrier3A)
    %scan3A_35 = arith.constant 0 : i32
    %scan3A_36 = arith.constant 41 : i32
    %scan3A_37 = arith.addi %scan3A_35, %scan3A_36 : i32
    %scan3A_38 = arith.constant 1 : i32
    scf.for %scan3A_55 = %scan3A_35 to %scan3A_37 step %scan3A_38  : i32 {
      %mul3A_56 = arith.constant 3 : i32
      %mul3A_57 = arith.muli %scan3A_55, %mul3A_56 : i32
      %add3A_58 = arith.constant 0 : i32
      %add3A_59 = arith.addi %add3A_58, %mul3A_57 : i32
      %add3A_60 = arith.constant 0 : i32
      %add3A_61 = arith.addi %add3A_59, %add3A_60 : i32
      %add3A_62 = arith.constant 2 : i32
      %add3A_63 = arith.addi %add3A_61, %add3A_62 : i32
      %mul3A_64 = arith.constant 80 : i32
      %mul3A_65 = arith.muli %add3A_63, %mul3A_64 : i32
      %dma_start3A_66 = tpu.memref_slice %arg6[%mul3A_65] : memref<10000xi32, #tpu.memory_space<vmem>> -> memref<80xi32, #tpu.memory_space<vmem>>
      %dma_start3A_67 = arith.constant 0 : i32
      %dma_start3A_68 = arith.constant 0 : i32
      %dma_start3A_69 = tpu.memref_slice %arg2[%dma_start3A_67, %dma_start3A_68] : memref<10000x128xf32, #tpu.memory_space<hbm>> -> memref<10000x128xf32, #tpu.memory_space<hbm>>
      tpu.enqueue_indirect_dma source(%dma_start3A_69 : memref<10000x128xf32, #tpu.memory_space<hbm>>) target(%arg10 : memref<80x128xf32, #tpu.memory_space<vmem>>) offsets(%dma_start3A_66 : memref<80xi32, #tpu.memory_space<vmem>>) semaphore(%arg15 : memref<!tpu.dma_semaphore, #tpu.memory_space<semaphore_mem>>)
      %mul3A_70 = arith.constant 80 : i32
      %mul3A_71 = arith.muli %add3A_61, %mul3A_70 : i32
      %dma_wait3A_72 = tpu.memref_slice %arg6[%mul3A_71] : memref<10000xi32, #tpu.memory_space<vmem>> -> memref<80xi32, #tpu.memory_space<vmem>>
      %dma_wait3A_73 = arith.constant 0 : i32
      %dma_wait3A_74 = arith.constant 0 : i32
      %dma_wait3A_75 = tpu.memref_slice %arg2[%dma_wait3A_73, %dma_wait3A_74] : memref<10000x128xf32, #tpu.memory_space<hbm>> -> memref<10000x128xf32, #tpu.memory_space<hbm>>
      tpu.wait_indirect_dma semaphore(%arg13 : memref<!tpu.dma_semaphore, #tpu.memory_space<semaphore_mem>>) src(%dma_wait3A_75 : memref<10000x128xf32, #tpu.memory_space<hbm>>) dst(%arg8 : memref<80x128xf32, #tpu.memory_space<vmem>>)
      %mul3A_76 = arith.constant 80 : i32
      %mul3A_77 = arith.muli %add3A_61, %mul3A_76 : i32
      "tpu.region"() ({
        %run_scoped3A = tpu.sem_alloc : memref<!tpu.dma_semaphore, #tpu.memory_space<semaphore_mem>>
        %dma_start3A_114 = tpu.memref_slice %arg7[%mul3A_77] : memref<10000xi32, #tpu.memory_space<vmem>> -> memref<80xi32, #tpu.memory_space<vmem>>
        %dma_start3A_115 = arith.constant 0 : i32
        %dma_start3A_116 = arith.constant 0 : i32
        %dma_start3A_117 = tpu.memref_slice %arg11[%dma_start3A_115, %dma_start3A_116] : memref<10000x128xf32, #tpu.memory_space<vmem_shared>> -> memref<10000x128xf32, #tpu.memory_space<vmem_shared>>
        tpu.enqueue_indirect_dma source(%arg8 : memref<80x128xf32, #tpu.memory_space<vmem>>) target(%dma_start3A_117 : memref<10000x128xf32, #tpu.memory_space<vmem_shared>>) offsets(%dma_start3A_114 : memref<80xi32, #tpu.memory_space<vmem>>) semaphore(%run_scoped3A : memref<!tpu.dma_semaphore, #tpu.memory_space<semaphore_mem>>) {add = true}
        %dma_wait3A_118 = tpu.memref_slice %arg7[%mul3A_77] : memref<10000xi32, #tpu.memory_space<vmem>> -> memref<80xi32, #tpu.memory_space<vmem>>
        %dma_wait3A_119 = arith.constant 0 : i32
        %dma_wait3A_120 = arith.constant 0 : i32
        %dma_wait3A_121 = tpu.memref_slice %arg11[%dma_wait3A_119, %dma_wait3A_120] : memref<10000x128xf32, #tpu.memory_space<vmem_shared>> -> memref<10000x128xf32, #tpu.memory_space<vmem_shared>>
        tpu.wait_indirect_dma semaphore(%run_scoped3A : memref<!tpu.dma_semaphore, #tpu.memory_space<semaphore_mem>>) src(%arg8 : memref<80x128xf32, #tpu.memory_space<vmem>>) dst(%dma_wait3A_121 : memref<10000x128xf32, #tpu.memory_space<vmem_shared>>)
        tpu.yield
      }) : () -> ()
      %add3A_78 = arith.constant 1 : i32
      %add3A_79 = arith.addi %add3A_59, %add3A_78 : i32
      %add3A_80 = arith.constant 2 : i32
      %add3A_81 = arith.addi %add3A_79, %add3A_80 : i32
      %mul3A_82 = arith.constant 80 : i32
      %mul3A_83 = arith.muli %add3A_81, %mul3A_82 : i32
      %dma_start3A_84 = tpu.memref_slice %arg6[%mul3A_83] : memref<10000xi32, #tpu.memory_space<vmem>> -> memref<80xi32, #tpu.memory_space<vmem>>
      %dma_start3A_85 = arith.constant 0 : i32
      %dma_start3A_86 = arith.constant 0 : i32
      %dma_start3A_87 = tpu.memref_slice %arg2[%dma_start3A_85, %dma_start3A_86] : memref<10000x128xf32, #tpu.memory_space<hbm>> -> memref<10000x128xf32, #tpu.memory_space<hbm>>
      tpu.enqueue_indirect_dma source(%dma_start3A_87 : memref<10000x128xf32, #tpu.memory_space<hbm>>) target(%arg8 : memref<80x128xf32, #tpu.memory_space<vmem>>) offsets(%dma_start3A_84 : memref<80xi32, #tpu.memory_space<vmem>>) semaphore(%arg13 : memref<!tpu.dma_semaphore, #tpu.memory_space<semaphore_mem>>)
      %mul3A_88 = arith.constant 80 : i32
      %mul3A_89 = arith.muli %add3A_79, %mul3A_88 : i32
      %dma_wait3A_90 = tpu.memref_slice %arg6[%mul3A_89] : memref<10000xi32, #tpu.memory_space<vmem>> -> memref<80xi32, #tpu.memory_space<vmem>>
      %dma_wait3A_91 = arith.constant 0 : i32
      %dma_wait3A_92 = arith.constant 0 : i32
      %dma_wait3A_93 = tpu.memref_slice %arg2[%dma_wait3A_91, %dma_wait3A_92] : memref<10000x128xf32, #tpu.memory_space<hbm>> -> memref<10000x128xf32, #tpu.memory_space<hbm>>
      tpu.wait_indirect_dma semaphore(%arg14 : memref<!tpu.dma_semaphore, #tpu.memory_space<semaphore_mem>>) src(%dma_wait3A_93 : memref<10000x128xf32, #tpu.memory_space<hbm>>) dst(%arg9 : memref<80x128xf32, #tpu.memory_space<vmem>>)
      %mul3A_94 = arith.constant 80 : i32
      %mul3A_95 = arith.muli %add3A_79, %mul3A_94 : i32
      "tpu.region"() ({
        %run_scoped3A = tpu.sem_alloc : memref<!tpu.dma_semaphore, #tpu.memory_space<semaphore_mem>>
        %dma_start3A_114 = tpu.memref_slice %arg7[%mul3A_95] : memref<10000xi32, #tpu.memory_space<vmem>> -> memref<80xi32, #tpu.memory_space<vmem>>
        %dma_start3A_115 = arith.constant 0 : i32
        %dma_start3A_116 = arith.constant 0 : i32
        %dma_start3A_117 = tpu.memref_slice %arg11[%dma_start3A_115, %dma_start3A_116] : memref<10000x128xf32, #tpu.memory_space<vmem_shared>> -> memref<10000x128xf32, #tpu.memory_space<vmem_shared>>
        tpu.enqueue_indirect_dma source(%arg9 : memref<80x128xf32, #tpu.memory_space<vmem>>) target(%dma_start3A_117 : memref<10000x128xf32, #tpu.memory_space<vmem_shared>>) offsets(%dma_start3A_114 : memref<80xi32, #tpu.memory_space<vmem>>) semaphore(%run_scoped3A : memref<!tpu.dma_semaphore, #tpu.memory_space<semaphore_mem>>) {add = true}
        %dma_wait3A_118 = tpu.memref_slice %arg7[%mul3A_95] : memref<10000xi32, #tpu.memory_space<vmem>> -> memref<80xi32, #tpu.memory_space<vmem>>
        %dma_wait3A_119 = arith.constant 0 : i32
        %dma_wait3A_120 = arith.constant 0 : i32
        %dma_wait3A_121 = tpu.memref_slice %arg11[%dma_wait3A_119, %dma_wait3A_120] : memref<10000x128xf32, #tpu.memory_space<vmem_shared>> -> memref<10000x128xf32, #tpu.memory_space<vmem_shared>>
        tpu.wait_indirect_dma semaphore(%run_scoped3A : memref<!tpu.dma_semaphore, #tpu.memory_space<semaphore_mem>>) src(%arg9 : memref<80x128xf32, #tpu.memory_space<vmem>>) dst(%dma_wait3A_121 : memref<10000x128xf32, #tpu.memory_space<vmem_shared>>)
        tpu.yield
      }) : () -> ()
      %add3A_96 = arith.constant 2 : i32
      %add3A_97 = arith.addi %add3A_59, %add3A_96 : i32
      %add3A_98 = arith.constant 2 : i32
      %add3A_99 = arith.addi %add3A_97, %add3A_98 : i32
      %mul3A_100 = arith.constant 80 : i32
      %mul3A_101 = arith.muli %add3A_99, %mul3A_100 : i32
      %dma_start3A_102 = tpu.memref_slice %arg6[%mul3A_101] : memref<10000xi32, #tpu.memory_space<vmem>> -> memref<80xi32, #tpu.memory_space<vmem>>
      %dma_start3A_103 = arith.constant 0 : i32
      %dma_start3A_104 = arith.constant 0 : i32
      %dma_start3A_105 = tpu.memref_slice %arg2[%dma_start3A_103, %dma_start3A_104] : memref<10000x128xf32, #tpu.memory_space<hbm>> -> memref<10000x128xf32, #tpu.memory_space<hbm>>
      tpu.enqueue_indirect_dma source(%dma_start3A_105 : memref<10000x128xf32, #tpu.memory_space<hbm>>) target(%arg9 : memref<80x128xf32, #tpu.memory_space<vmem>>) offsets(%dma_start3A_102 : memref<80xi32, #tpu.memory_space<vmem>>) semaphore(%arg14 : memref<!tpu.dma_semaphore, #tpu.memory_space<semaphore_mem>>)
      %mul3A_106 = arith.constant 80 : i32
      %mul3A_107 = arith.muli %add3A_97, %mul3A_106 : i32
      %dma_wait3A_108 = tpu.memref_slice %arg6[%mul3A_107] : memref<10000xi32, #tpu.memory_space<vmem>> -> memref<80xi32, #tpu.memory_space<vmem>>
      %dma_wait3A_109 = arith.constant 0 : i32
      %dma_wait3A_110 = arith.constant 0 : i32
      %dma_wait3A_111 = tpu.memref_slice %arg2[%dma_wait3A_109, %dma_wait3A_110] : memref<10000x128xf32, #tpu.memory_space<hbm>> -> memref<10000x128xf32, #tpu.memory_space<hbm>>
      tpu.wait_indirect_dma semaphore(%arg15 : memref<!tpu.dma_semaphore, #tpu.memory_space<semaphore_mem>>) src(%dma_wait3A_111 : memref<10000x128xf32, #tpu.memory_space<hbm>>) dst(%arg10 : memref<80x128xf32, #tpu.memory_space<vmem>>)
      %mul3A_112 = arith.constant 80 : i32
      %mul3A_113 = arith.muli %add3A_97, %mul3A_112 : i32
      "tpu.region"() ({
        %run_scoped3A = tpu.sem_alloc : memref<!tpu.dma_semaphore, #tpu.memory_space<semaphore_mem>>
        %dma_start3A_114 = tpu.memref_slice %arg7[%mul3A_113] : memref<10000xi32, #tpu.memory_space<vmem>> -> memref<80xi32, #tpu.memory_space<vmem>>
        %dma_start3A_115 = arith.constant 0 : i32
        %dma_start3A_116 = arith.constant 0 : i32
        %dma_start3A_117 = tpu.memref_slice %arg11[%dma_start3A_115, %dma_start3A_116] : memref<10000x128xf32, #tpu.memory_space<vmem_shared>> -> memref<10000x128xf32, #tpu.memory_space<vmem_shared>>
        tpu.enqueue_indirect_dma source(%arg10 : memref<80x128xf32, #tpu.memory_space<vmem>>) target(%dma_start3A_117 : memref<10000x128xf32, #tpu.memory_space<vmem_shared>>) offsets(%dma_start3A_114 : memref<80xi32, #tpu.memory_space<vmem>>) semaphore(%run_scoped3A : memref<!tpu.dma_semaphore, #tpu.memory_space<semaphore_mem>>) {add = true}
        %dma_wait3A_118 = tpu.memref_slice %arg7[%mul3A_113] : memref<10000xi32, #tpu.memory_space<vmem>> -> memref<80xi32, #tpu.memory_space<vmem>>
        %dma_wait3A_119 = arith.constant 0 : i32
        %dma_wait3A_120 = arith.constant 0 : i32
        %dma_wait3A_121 = tpu.memref_slice %arg11[%dma_wait3A_119, %dma_wait3A_120] : memref<10000x128xf32, #tpu.memory_space<vmem_shared>> -> memref<10000x128xf32, #tpu.memory_space<vmem_shared>>
        tpu.wait_indirect_dma semaphore(%run_scoped3A : memref<!tpu.dma_semaphore, #tpu.memory_space<semaphore_mem>>) src(%arg10 : memref<80x128xf32, #tpu.memory_space<vmem>>) dst(%dma_wait3A_121 : memref<10000x128xf32, #tpu.memory_space<vmem_shared>>)
        tpu.yield
      }) : () -> ()
    }
    %scan3A_39 = arith.constant 41 : i32
    %dma_wait3A_40 = arith.constant 9840 : i32
    %dma_wait3A_41 = tpu.memref_slice %arg6[%dma_wait3A_40] : memref<10000xi32, #tpu.memory_space<vmem>> -> memref<80xi32, #tpu.memory_space<vmem>>
    %dma_wait3A_42 = arith.constant 0 : i32
    %dma_wait3A_43 = arith.constant 0 : i32
    %dma_wait3A_44 = tpu.memref_slice %arg2[%dma_wait3A_42, %dma_wait3A_43] : memref<10000x128xf32, #tpu.memory_space<hbm>> -> memref<10000x128xf32, #tpu.memory_space<hbm>>
    tpu.wait_indirect_dma semaphore(%arg13 : memref<!tpu.dma_semaphore, #tpu.memory_space<semaphore_mem>>) src(%dma_wait3A_44 : memref<10000x128xf32, #tpu.memory_space<hbm>>) dst(%arg8 : memref<80x128xf32, #tpu.memory_space<vmem>>)
    "tpu.region"() ({
      %run_scoped3A = tpu.sem_alloc : memref<!tpu.dma_semaphore, #tpu.memory_space<semaphore_mem>>
      %dma_start3A_55 = arith.constant 9840 : i32
      %dma_start3A_56 = tpu.memref_slice %arg7[%dma_start3A_55] : memref<10000xi32, #tpu.memory_space<vmem>> -> memref<80xi32, #tpu.memory_space<vmem>>
      %dma_start3A_57 = arith.constant 0 : i32
      %dma_start3A_58 = arith.constant 0 : i32
      %dma_start3A_59 = tpu.memref_slice %arg11[%dma_start3A_57, %dma_start3A_58] : memref<10000x128xf32, #tpu.memory_space<vmem_shared>> -> memref<10000x128xf32, #tpu.memory_space<vmem_shared>>
      tpu.enqueue_indirect_dma source(%arg8 : memref<80x128xf32, #tpu.memory_space<vmem>>) target(%dma_start3A_59 : memref<10000x128xf32, #tpu.memory_space<vmem_shared>>) offsets(%dma_start3A_56 : memref<80xi32, #tpu.memory_space<vmem>>) semaphore(%run_scoped3A : memref<!tpu.dma_semaphore, #tpu.memory_space<semaphore_mem>>) {add = true}
      %dma_wait3A_60 = arith.constant 9840 : i32
      %dma_wait3A_61 = tpu.memref_slice %arg7[%dma_wait3A_60] : memref<10000xi32, #tpu.memory_space<vmem>> -> memref<80xi32, #tpu.memory_space<vmem>>
      %dma_wait3A_62 = arith.constant 0 : i32
      %dma_wait3A_63 = arith.constant 0 : i32
      %dma_wait3A_64 = tpu.memref_slice %arg11[%dma_wait3A_62, %dma_wait3A_63] : memref<10000x128xf32, #tpu.memory_space<vmem_shared>> -> memref<10000x128xf32, #tpu.memory_space<vmem_shared>>
      tpu.wait_indirect_dma semaphore(%run_scoped3A : memref<!tpu.dma_semaphore, #tpu.memory_space<semaphore_mem>>) src(%arg8 : memref<80x128xf32, #tpu.memory_space<vmem>>) dst(%dma_wait3A_64 : memref<10000x128xf32, #tpu.memory_space<vmem_shared>>)
      tpu.yield
    }) : () -> ()
    %dma_wait3A_45 = arith.constant 9920 : i32
    %dma_wait3A_46 = tpu.memref_slice %arg6[%dma_wait3A_45] : memref<10000xi32, #tpu.memory_space<vmem>> -> memref<80xi32, #tpu.memory_space<vmem>>
    %dma_wait3A_47 = arith.constant 0 : i32
    %dma_wait3A_48 = arith.constant 0 : i32
    %dma_wait3A_49 = tpu.memref_slice %arg2[%dma_wait3A_47, %dma_wait3A_48] : memref<10000x128xf32, #tpu.memory_space<hbm>> -> memref<10000x128xf32, #tpu.memory_space<hbm>>
    tpu.wait_indirect_dma semaphore(%arg14 : memref<!tpu.dma_semaphore, #tpu.memory_space<semaphore_mem>>) src(%dma_wait3A_49 : memref<10000x128xf32, #tpu.memory_space<hbm>>) dst(%arg9 : memref<80x128xf32, #tpu.memory_space<vmem>>)
    "tpu.region"() ({
      %run_scoped3A = tpu.sem_alloc : memref<!tpu.dma_semaphore, #tpu.memory_space<semaphore_mem>>
      %dma_start3A_55 = arith.constant 9920 : i32
      %dma_start3A_56 = tpu.memref_slice %arg7[%dma_start3A_55] : memref<10000xi32, #tpu.memory_space<vmem>> -> memref<80xi32, #tpu.memory_space<vmem>>
      %dma_start3A_57 = arith.constant 0 : i32
      %dma_start3A_58 = arith.constant 0 : i32
      %dma_start3A_59 = tpu.memref_slice %arg11[%dma_start3A_57, %dma_start3A_58] : memref<10000x128xf32, #tpu.memory_space<vmem_shared>> -> memref<10000x128xf32, #tpu.memory_space<vmem_shared>>
      tpu.enqueue_indirect_dma source(%arg9 : memref<80x128xf32, #tpu.memory_space<vmem>>) target(%dma_start3A_59 : memref<10000x128xf32, #tpu.memory_space<vmem_shared>>) offsets(%dma_start3A_56 : memref<80xi32, #tpu.memory_space<vmem>>) semaphore(%run_scoped3A : memref<!tpu.dma_semaphore, #tpu.memory_space<semaphore_mem>>) {add = true}
      %dma_wait3A_60 = arith.constant 9920 : i32
      %dma_wait3A_61 = tpu.memref_slice %arg7[%dma_wait3A_60] : memref<10000xi32, #tpu.memory_space<vmem>> -> memref<80xi32, #tpu.memory_space<vmem>>
      %dma_wait3A_62 = arith.constant 0 : i32
      %dma_wait3A_63 = arith.constant 0 : i32
      %dma_wait3A_64 = tpu.memref_slice %arg11[%dma_wait3A_62, %dma_wait3A_63] : memref<10000x128xf32, #tpu.memory_space<vmem_shared>> -> memref<10000x128xf32, #tpu.memory_space<vmem_shared>>
      tpu.wait_indirect_dma semaphore(%run_scoped3A : memref<!tpu.dma_semaphore, #tpu.memory_space<semaphore_mem>>) src(%arg9 : memref<80x128xf32, #tpu.memory_space<vmem>>) dst(%dma_wait3A_64 : memref<10000x128xf32, #tpu.memory_space<vmem_shared>>)
      tpu.yield
    }) : () -> ()
    %barrier3A_50 = arith.constant 0 : index
    tpu.barrier barrier_id(%barrier3A_50)
    %mul3A_51 = arith.constant 625 : i32
    %mul3A_52 = arith.muli %arg1, %mul3A_51 : i32
    %mul3A_53 = arith.constant 625 : i32
    %mul3A_54 = arith.muli %arg1, %mul3A_53 : i32
    "tpu.region"() ({
      %run_scoped3A = tpu.sem_alloc : memref<!tpu.dma_semaphore, #tpu.memory_space<semaphore_mem>>
      %dma_start3A_55 = arith.constant 0 : i32
      %dma_start3A_56 = arith.constant 0 : i32
      %dma_start3A_57 = tpu.memref_slice %arg5[%arg0, %dma_start3A_55, %dma_start3A_56] : memref<2x10000x128xf32, #tpu.memory_space<hbm>> -> memref<1x10000x128xf32, #tpu.memory_space<hbm>>
      %dma_start3A_58 = tpu.memref_squeeze %dma_start3A_57 : memref<1x10000x128xf32, #tpu.memory_space<hbm>> -> memref<10000x128xf32, #tpu.memory_space<hbm>>
      %dma_start3A_59 = arith.constant 0 : i32
      %dma_start3A_60 = tpu.memref_slice %dma_start3A_58[%mul3A_54, %dma_start3A_59] : memref<10000x128xf32, #tpu.memory_space<hbm>> -> memref<625x128xf32, #tpu.memory_space<hbm>>
      %dma_start3A_61 = arith.constant 0 : i32
      %dma_start3A_62 = tpu.memref_slice %arg11[%mul3A_52, %dma_start3A_61] : memref<10000x128xf32, #tpu.memory_space<vmem_shared>> -> memref<625x128xf32, #tpu.memory_space<vmem_shared>>
      tpu.enqueue_dma source(%dma_start3A_62 : memref<625x128xf32, #tpu.memory_space<vmem_shared>>) target(%dma_start3A_60 : memref<625x128xf32, #tpu.memory_space<hbm>>) target_semaphore(%run_scoped3A : memref<!tpu.dma_semaphore, #tpu.memory_space<semaphore_mem>>)
      %dma_wait3A_63 = arith.constant 0 : i32
      %dma_wait3A_64 = arith.constant 0 : i32
      %dma_wait3A_65 = tpu.memref_slice %arg5[%arg0, %dma_wait3A_63, %dma_wait3A_64] : memref<2x10000x128xf32, #tpu.memory_space<hbm>> -> memref<1x10000x128xf32, #tpu.memory_space<hbm>>
      %dma_wait3A_66 = tpu.memref_squeeze %dma_wait3A_65 : memref<1x10000x128xf32, #tpu.memory_space<hbm>> -> memref<10000x128xf32, #tpu.memory_space<hbm>>
      %dma_wait3A_67 = arith.constant 0 : i32
      %dma_wait3A_68 = tpu.memref_slice %dma_wait3A_66[%mul3A_54, %dma_wait3A_67] : memref<10000x128xf32, #tpu.memory_space<hbm>> -> memref<625x128xf32, #tpu.memory_space<hbm>>
      %dma_wait3A_69 = arith.constant 0 : i32
      %dma_wait3A_70 = tpu.memref_slice %arg11[%mul3A_52, %dma_wait3A_69] : memref<10000x128xf32, #tpu.memory_space<vmem_shared>> -> memref<625x128xf32, #tpu.memory_space<vmem_shared>>
      tpu.wait_dma2 semaphore(%run_scoped3A : memref<!tpu.dma_semaphore, #tpu.memory_space<semaphore_mem>>) src(%dma_wait3A_70 : memref<625x128xf32, #tpu.memory_space<vmem_shared>>) dst(%dma_wait3A_68 : memref<625x128xf32, #tpu.memory_space<hbm>>)
      tpu.yield
    }) : () -> ()
    return
  }
}

module attributes {stable_mosaic.version = 14 : i64} {
  func.func @_mm_body(%arg0: i32, %arg1: memref<2000x128xf32, #tpu.memory_space<vmem>>, %arg2: memref<128x128xf32, #tpu.memory_space<vmem>>, %arg3: memref<2000x128xf32, #tpu.memory_space<vmem>>) attributes {dimension_semantics = [#tpu.dimension_semantics<arbitrary>], iteration_bounds = array<i64: 5>, scalar_prefetch = 0 : i64, scratch_operands = 0 : i64, tpu.core_type = #tpu.core_type<tc>, window_params = [{transform_indices = @transform_0, window_bounds = array<i64: 2000, 128>}, {pipeline_mode = #tpu.pipeline_mode<synchronous>, transform_indices = @transform_1, window_bounds = array<i64: 128, 128>}, {transform_indices = @transform_2, window_bounds = array<i64: 2000, 128>}]} {
    %get3A = arith.constant 0 : index
    %get3A_0 = arith.constant 0 : index
    %get3A_1 = vector.load %arg1[%get3A, %get3A_0] : memref<2000x128xf32, #tpu.memory_space<vmem>>, vector<2000x128xf32>
    %get3A_2 = arith.constant 0 : index
    %get3A_3 = arith.constant 0 : index
    %get3A_4 = vector.load %arg2[%get3A_2, %get3A_3] : memref<128x128xf32, #tpu.memory_space<vmem>>, vector<128x128xf32>
    %dot_general3A = arith.constant dense<0.000000e+00> : vector<2000x128xf32>
    %dot_general3A_5 = tpu.matmul %get3A_1, %get3A_4, %dot_general3A {dimension_numbers = #tpu.dot_dimension_numbers<[1], [0], [0], [1], [0, 0, 1, 1], [], []>, transpose_lhs_hint = false} : vector<2000x128xf32>, vector<128x128xf32>, vector<2000x128xf32> -> vector<2000x128xf32>
    %swap3A = arith.constant 0 : index
    %swap3A_6 = arith.constant 0 : index
    %swap3A_7 = vector.load %arg3[%swap3A, %swap3A_6] : memref<2000x128xf32, #tpu.memory_space<vmem>>, vector<2000x128xf32>
    tpu.vector_store %arg3[%swap3A, %swap3A_6], %dot_general3A_5 {strides = array<i32>} : memref<2000x128xf32, #tpu.memory_space<vmem>>, vector<2000x128xf32>,
    return
  }
  func.func @transform_0(%arg0: i32) -> (i32, i32) {
    %c0_i32 = arith.constant 0 : i32
    %c0_i32_0 = arith.constant 0 : i32
    return %arg0, %c0_i32 : i32, i32
  }
  func.func @transform_1(%arg0: i32) -> (i32, i32) {
    %c0_i32 = arith.constant 0 : i32
    %c0_i32_0 = arith.constant 0 : i32
    %c0_i32_1 = arith.constant 0 : i32
    return %c0_i32, %c0_i32_0 : i32, i32
  }
  func.func @transform_2(%arg0: i32) -> (i32, i32) {
    %c0_i32 = arith.constant 0 : i32
    %c0_i32_0 = arith.constant 0 : i32
    return %arg0, %c0_i32 : i32, i32
  }
}

module attributes {stable_mosaic.version = 14 : i64} {
  func.func @_dis_body(%arg0: memref<32x10000xf32, #tpu.memory_space<vmem>>, %arg1: memref<10000x1xf32, #tpu.memory_space<vmem>>) attributes {dimension_semantics = [], scalar_prefetch = 0 : i64, scratch_operands = 0 : i64, tpu.core_type = #tpu.core_type<tc>} {
    %broadcast_in_dim3A = arith.constant 1.000000e+00 : f32
    %broadcast_in_dim3A_0 = vector.broadcast %broadcast_in_dim3A : f32 to vector<32x1xf32>
    %get3A = arith.constant 0 : index
    %get3A_1 = arith.constant 0 : index
    %get3A_2 = vector.load %arg0[%get3A, %get3A_1] : memref<32x10000xf32, #tpu.memory_space<vmem>>, vector<32x10000xf32>
    %dot_general3A = arith.constant dense<0.000000e+00> : vector<10000x1xf32>
    %dot_general3A_3 = tpu.matmul %get3A_2, %broadcast_in_dim3A_0, %dot_general3A {dimension_numbers = #tpu.dot_dimension_numbers<[0], [0], [1], [1], [0, 1, 1, 1], [], []>, transpose_lhs_hint = false} : vector<32x10000xf32>, vector<32x1xf32>, vector<10000x1xf32> -> vector<10000x1xf32>
    %add3A = arith.constant 1.000000e+00 : f32
    %add3A_4 = vector.broadcast %add3A : f32 to vector<10000x1xf32>
    %add3A_5 = arith.addf %dot_general3A_3, %add3A_4 : vector<10000x1xf32>
    %rsqrt3A = math.rsqrt %add3A_5 : vector<10000x1xf32>
    %swap3A = arith.constant 0 : index
    %swap3A_6 = arith.constant 0 : index
    %swap3A_7 = vector.load %arg1[%swap3A, %swap3A_6] : memref<10000x1xf32, #tpu.memory_space<vmem>>, vector<10000x1xf32>
    tpu.vector_store %arg1[%swap3A, %swap3A_6], %rsqrt3A {strides = array<i32>} : memref<10000x1xf32, #tpu.memory_space<vmem>>, vector<10000x1xf32>,
    return
  }
}

module attributes {stable_mosaic.version = 14 : i64} {
  func.func @_scale1_body(%arg0: i32, %arg1: memref<2000x128xf32, #tpu.memory_space<vmem>>, %arg2: memref<2000x1xf32, #tpu.memory_space<vmem>>, %arg3: memref<2000x128xf32, #tpu.memory_space<vmem>>) attributes {dimension_semantics = [#tpu.dimension_semantics<arbitrary>], iteration_bounds = array<i64: 5>, scalar_prefetch = 0 : i64, scratch_operands = 0 : i64, tpu.core_type = #tpu.core_type<tc>, window_params = [{transform_indices = @transform_0, window_bounds = array<i64: 2000, 128>}, {transform_indices = @transform_1, window_bounds = array<i64: 2000, 1>}, {transform_indices = @transform_2, window_bounds = array<i64: 2000, 128>}]} {
    %get3A = arith.constant 0 : index
    %get3A_0 = arith.constant 0 : index
    %get3A_1 = vector.load %arg1[%get3A, %get3A_0] : memref<2000x128xf32, #tpu.memory_space<vmem>>, vector<2000x128xf32>
    %get3A_2 = arith.constant 0 : index
    %get3A_3 = arith.constant 0 : index
    %get3A_4 = vector.load %arg2[%get3A_2, %get3A_3] : memref<2000x1xf32, #tpu.memory_space<vmem>>, vector<2000x1xf32>
    %mul3A = vector.broadcast %get3A_4 : vector<2000x1xf32> to vector<2000x128xf32>
    %mul3A_5 = arith.mulf %get3A_1, %mul3A : vector<2000x128xf32>
    %swap3A = arith.constant 0 : index
    %swap3A_6 = arith.constant 0 : index
    %swap3A_7 = vector.load %arg3[%swap3A, %swap3A_6] : memref<2000x128xf32, #tpu.memory_space<vmem>>, vector<2000x128xf32>
    tpu.vector_store %arg3[%swap3A, %swap3A_6], %mul3A_5 {strides = array<i32>} : memref<2000x128xf32, #tpu.memory_space<vmem>>, vector<2000x128xf32>,
    return
  }
  func.func @transform_0(%arg0: i32) -> (i32, i32) {
    %c0_i32 = arith.constant 0 : i32
    %c0_i32_0 = arith.constant 0 : i32
    return %arg0, %c0_i32 : i32, i32
  }
  func.func @transform_1(%arg0: i32) -> (i32, i32) {
    %c0_i32 = arith.constant 0 : i32
    %c0_i32_0 = arith.constant 0 : i32
    return %arg0, %c0_i32 : i32, i32
  }
  func.func @transform_2(%arg0: i32) -> (i32, i32) {
    %c0_i32 = arith.constant 0 : i32
    %c0_i32_0 = arith.constant 0 : i32
    return %arg0, %c0_i32 : i32, i32
  }
}

module attributes {stable_mosaic.version = 14 : i64} {
  func.func @_mid_body(%arg0: i32, %arg1: memref<2x2000x128xf32, #tpu.memory_space<vmem>>, %arg2: memref<2000x128xf32, #tpu.memory_space<vmem>>, %arg3: memref<2000x1xf32, #tpu.memory_space<vmem>>, %arg4: memref<128xf32, #tpu.memory_space<vmem>>, %arg5: memref<128x128xf32, #tpu.memory_space<vmem>>, %arg6: memref<2000x128xf32, #tpu.memory_space<vmem>>, %arg7: memref<2000x128xf32, #tpu.memory_space<vmem>>) attributes {dimension_semantics = [#tpu.dimension_semantics<arbitrary>], iteration_bounds = array<i64: 5>, scalar_prefetch = 0 : i64, scratch_operands = 0 : i64, tpu.core_type = #tpu.core_type<tc>, window_params = [{transform_indices = @transform_0, window_bounds = array<i64: 2, 2000, 128>}, {transform_indices = @transform_1, window_bounds = array<i64: 2000, 128>}, {transform_indices = @transform_2, window_bounds = array<i64: 2000, 1>}, {pipeline_mode = #tpu.pipeline_mode<synchronous>, transform_indices = @transform_3, window_bounds = array<i64: 128>}, {pipeline_mode = #tpu.pipeline_mode<synchronous>, transform_indices = @transform_4, window_bounds = array<i64: 128, 128>}, {transform_indices = @transform_5, window_bounds = array<i64: 2000, 128>}, {transform_indices = @transform_6, window_bounds = array<i64: 2000, 128>}]} {
    %get3A = arith.constant 0 : index
    %get3A_0 = arith.constant 0 : index
    %get3A_1 = vector.load %arg3[%get3A, %get3A_0] : memref<2000x1xf32, #tpu.memory_space<vmem>>, vector<2000x1xf32>
    %get3A_2 = arith.constant 0 : index
    %get3A_3 = arith.constant 0 : index
    %get3A_4 = arith.constant 0 : index
    %get3A_5 = vector.load %arg1[%get3A_2, %get3A_3, %get3A_4] : memref<2x2000x128xf32, #tpu.memory_space<vmem>>, vector<1x2000x128xf32>
    %get3A_6 = vector.shape_cast %get3A_5 : vector<1x2000x128xf32> to vector<2000x128xf32>
    %get3A_7 = arith.constant 1 : index
    %get3A_8 = arith.constant 0 : index
    %get3A_9 = arith.constant 0 : index
    %get3A_10 = vector.load %arg1[%get3A_7, %get3A_8, %get3A_9] : memref<2x2000x128xf32, #tpu.memory_space<vmem>>, vector<1x2000x128xf32>
    %get3A_11 = vector.shape_cast %get3A_10 : vector<1x2000x128xf32> to vector<2000x128xf32>
    %add3A = arith.addf %get3A_6, %get3A_11 : vector<2000x128xf32>
    %mul3A = vector.broadcast %get3A_1 : vector<2000x1xf32> to vector<2000x128xf32>
    %mul3A_12 = arith.mulf %add3A, %mul3A : vector<2000x128xf32>
    %get3A_13 = arith.constant 0 : index
    %get3A_14 = arith.constant 0 : index
    %get3A_15 = vector.load %arg2[%get3A_13, %get3A_14] : memref<2000x128xf32, #tpu.memory_space<vmem>>, vector<2000x128xf32>
    %mul3A_16 = arith.mulf %get3A_1, %get3A_1 : vector<2000x1xf32>
    %mul3A_17 = vector.broadcast %mul3A_16 : vector<2000x1xf32> to vector<2000x128xf32>
    %mul3A_18 = arith.mulf %get3A_15, %mul3A_17 : vector<2000x128xf32>
    %add3A_19 = arith.addf %mul3A_12, %mul3A_18 : vector<2000x128xf32>
    %get3A_20 = arith.constant 0 : index
    %get3A_21 = vector.load %arg4[%get3A_20] : memref<128xf32, #tpu.memory_space<vmem>>, vector<128xf32>
    %broadcast_in_dim3A = vector.shape_cast %get3A_21 : vector<128xf32> to vector<1x128xf32>
    %add3A_22 = vector.broadcast %broadcast_in_dim3A : vector<1x128xf32> to vector<2000x128xf32>
    %add3A_23 = arith.addf %add3A_19, %add3A_22 : vector<2000x128xf32>
    %max3A = arith.constant 0.000000e+00 : f32
    %max3A_24 = vector.broadcast %max3A : f32 to vector<2000x128xf32>
    %max3A_25 = arith.maximumf %add3A_23, %max3A_24 : vector<2000x128xf32>
    %get3A_26 = arith.constant 0 : index
    %get3A_27 = arith.constant 0 : index
    %get3A_28 = vector.load %arg5[%get3A_26, %get3A_27] : memref<128x128xf32, #tpu.memory_space<vmem>>, vector<128x128xf32>
    %dot_general3A = arith.constant dense<0.000000e+00> : vector<2000x128xf32>
    %dot_general3A_29 = tpu.matmul %max3A_25, %get3A_28, %dot_general3A {dimension_numbers = #tpu.dot_dimension_numbers<[1], [0], [0], [1], [0, 0, 1, 1], [], []>, transpose_lhs_hint = false} : vector<2000x128xf32>, vector<128x128xf32>, vector<2000x128xf32> -> vector<2000x128xf32>
    %swap3A = arith.constant 0 : index
    %swap3A_30 = arith.constant 0 : index
    %swap3A_31 = vector.load %arg6[%swap3A, %swap3A_30] : memref<2000x128xf32, #tpu.memory_space<vmem>>, vector<2000x128xf32>
    tpu.vector_store %arg6[%swap3A, %swap3A_30], %dot_general3A_29 {strides = array<i32>} : memref<2000x128xf32, #tpu.memory_space<vmem>>, vector<2000x128xf32>,
    %mul3A_32 = vector.broadcast %get3A_1 : vector<2000x1xf32> to vector<2000x128xf32>
    %mul3A_33 = arith.mulf %dot_general3A_29, %mul3A_32 : vector<2000x128xf32>
    %swap3A_34 = arith.constant 0 : index
    %swap3A_35 = arith.constant 0 : index
    %swap3A_36 = vector.load %arg7[%swap3A_34, %swap3A_35] : memref<2000x128xf32, #tpu.memory_space<vmem>>, vector<2000x128xf32>
    tpu.vector_store %arg7[%swap3A_34, %swap3A_35], %mul3A_33 {strides = array<i32>} : memref<2000x128xf32, #tpu.memory_space<vmem>>, vector<2000x128xf32>,
    return
  }
  func.func @transform_0(%arg0: i32) -> (i32, i32, i32) {
    %c0_i32 = arith.constant 0 : i32
    %c0_i32_0 = arith.constant 0 : i32
    %c0_i32_1 = arith.constant 0 : i32
    return %c0_i32, %arg0, %c0_i32_0 : i32, i32, i32
  }
  func.func @transform_1(%arg0: i32) -> (i32, i32) {
    %c0_i32 = arith.constant 0 : i32
    %c0_i32_0 = arith.constant 0 : i32
    return %arg0, %c0_i32 : i32, i32
  }
  func.func @transform_2(%arg0: i32) -> (i32, i32) {
    %c0_i32 = arith.constant 0 : i32
    %c0_i32_0 = arith.constant 0 : i32
    return %arg0, %c0_i32 : i32, i32
  }
  func.func @transform_3(%arg0: i32) -> i32 {
    %c0_i32 = arith.constant 0 : i32
    %c0_i32_0 = arith.constant 0 : i32
    return %c0_i32 : i32
  }
  func.func @transform_4(%arg0: i32) -> (i32, i32) {
    %c0_i32 = arith.constant 0 : i32
    %c0_i32_0 = arith.constant 0 : i32
    %c0_i32_1 = arith.constant 0 : i32
    return %c0_i32, %c0_i32_0 : i32, i32
  }
  func.func @transform_5(%arg0: i32) -> (i32, i32) {
    %c0_i32 = arith.constant 0 : i32
    %c0_i32_0 = arith.constant 0 : i32
    return %arg0, %c0_i32 : i32, i32
  }
  func.func @transform_6(%arg0: i32) -> (i32, i32) {
    %c0_i32 = arith.constant 0 : i32
    %c0_i32_0 = arith.constant 0 : i32
    return %arg0, %c0_i32 : i32, i32
  }
}

module attributes {stable_mosaic.version = 14 : i64} {
  func.func @_final_body(%arg0: i32, %arg1: memref<2x2000x128xf32, #tpu.memory_space<vmem>>, %arg2: memref<2000x128xf32, #tpu.memory_space<vmem>>, %arg3: memref<2000x1xf32, #tpu.memory_space<vmem>>, %arg4: memref<128xf32, #tpu.memory_space<vmem>>, %arg5: memref<2000x128xf32, #tpu.memory_space<vmem>>) attributes {dimension_semantics = [#tpu.dimension_semantics<arbitrary>], iteration_bounds = array<i64: 5>, scalar_prefetch = 0 : i64, scratch_operands = 0 : i64, tpu.core_type = #tpu.core_type<tc>, window_params = [{transform_indices = @transform_0, window_bounds = array<i64: 2, 2000, 128>}, {transform_indices = @transform_1, window_bounds = array<i64: 2000, 128>}, {transform_indices = @transform_2, window_bounds = array<i64: 2000, 1>}, {pipeline_mode = #tpu.pipeline_mode<synchronous>, transform_indices = @transform_3, window_bounds = array<i64: 128>}, {transform_indices = @transform_4, window_bounds = array<i64: 2000, 128>}]} {
    %get3A = arith.constant 0 : index
    %get3A_0 = arith.constant 0 : index
    %get3A_1 = vector.load %arg3[%get3A, %get3A_0] : memref<2000x1xf32, #tpu.memory_space<vmem>>, vector<2000x1xf32>
    %get3A_2 = arith.constant 0 : index
    %get3A_3 = arith.constant 0 : index
    %get3A_4 = arith.constant 0 : index
    %get3A_5 = vector.load %arg1[%get3A_2, %get3A_3, %get3A_4] : memref<2x2000x128xf32, #tpu.memory_space<vmem>>, vector<1x2000x128xf32>
    %get3A_6 = vector.shape_cast %get3A_5 : vector<1x2000x128xf32> to vector<2000x128xf32>
    %get3A_7 = arith.constant 1 : index
    %get3A_8 = arith.constant 0 : index
    %get3A_9 = arith.constant 0 : index
    %get3A_10 = vector.load %arg1[%get3A_7, %get3A_8, %get3A_9] : memref<2x2000x128xf32, #tpu.memory_space<vmem>>, vector<1x2000x128xf32>
    %get3A_11 = vector.shape_cast %get3A_10 : vector<1x2000x128xf32> to vector<2000x128xf32>
    %add3A = arith.addf %get3A_6, %get3A_11 : vector<2000x128xf32>
    %mul3A = vector.broadcast %get3A_1 : vector<2000x1xf32> to vector<2000x128xf32>
    %mul3A_12 = arith.mulf %add3A, %mul3A : vector<2000x128xf32>
    %get3A_13 = arith.constant 0 : index
    %get3A_14 = arith.constant 0 : index
    %get3A_15 = vector.load %arg2[%get3A_13, %get3A_14] : memref<2000x128xf32, #tpu.memory_space<vmem>>, vector<2000x128xf32>
    %mul3A_16 = arith.mulf %get3A_1, %get3A_1 : vector<2000x1xf32>
    %mul3A_17 = vector.broadcast %mul3A_16 : vector<2000x1xf32> to vector<2000x128xf32>
    %mul3A_18 = arith.mulf %get3A_15, %mul3A_17 : vector<2000x128xf32>
    %add3A_19 = arith.addf %mul3A_12, %mul3A_18 : vector<2000x128xf32>
    %get3A_20 = arith.constant 0 : index
    %get3A_21 = vector.load %arg4[%get3A_20] : memref<128xf32, #tpu.memory_space<vmem>>, vector<128xf32>
    %broadcast_in_dim3A = vector.shape_cast %get3A_21 : vector<128xf32> to vector<1x128xf32>
    %add3A_22 = vector.broadcast %broadcast_in_dim3A : vector<1x128xf32> to vector<2000x128xf32>
    %add3A_23 = arith.addf %add3A_19, %add3A_22 : vector<2000x128xf32>
    %swap3A = arith.constant 0 : index
    %swap3A_24 = arith.constant 0 : index
    %swap3A_25 = vector.load %arg5[%swap3A, %swap3A_24] : memref<2000x128xf32, #tpu.memory_space<vmem>>, vector<2000x128xf32>
    tpu.vector_store %arg5[%swap3A, %swap3A_24], %add3A_23 {strides = array<i32>} : memref<2000x128xf32, #tpu.memory_space<vmem>>, vector<2000x128xf32>,
    return
  }
  func.func @transform_0(%arg0: i32) -> (i32, i32, i32) {
    %c0_i32 = arith.constant 0 : i32
    %c0_i32_0 = arith.constant 0 : i32
    %c0_i32_1 = arith.constant 0 : i32
    return %c0_i32, %arg0, %c0_i32_0 : i32, i32, i32
  }
  func.func @transform_1(%arg0: i32) -> (i32, i32) {
    %c0_i32 = arith.constant 0 : i32
    %c0_i32_0 = arith.constant 0 : i32
    return %arg0, %c0_i32 : i32, i32
  }
  func.func @transform_2(%arg0: i32) -> (i32, i32) {
    %c0_i32 = arith.constant 0 : i32
    %c0_i32_0 = arith.constant 0 : i32
    return %arg0, %c0_i32 : i32, i32
  }
  func.func @transform_3(%arg0: i32) -> i32 {
    %c0_i32 = arith.constant 0 : i32
    %c0_i32_0 = arith.constant 0 : i32
    return %c0_i32 : i32
  }
  func.func @transform_4(%arg0: i32) -> (i32, i32) {
    %c0_i32 = arith.constant 0 : i32
    %c0_i32_0 = arith.constant 0 : i32
    return %arg0, %c0_i32 : i32, i32
  }
}

</mosaic_0001>

<sc_bundles>
// kernel: kernel.10.cloned.1.call-start
scs
__scs_entry_jumppad:
0x0: {  	(pc) =	sbr.rel $0x88, $3  }
0x1: {  	(tag) =	ssettag $0x0;
	lr =	simm.s32 $0x1  }
0x2: {  	[smem:$0x3F9B] =	sst lr;
	_ =	strace $0xD0000000  }
0x3: {  	_ = 	snop  }
0x4: {  	_ = 	snop  }
0x5: {  	_ = 	snop  }
0x6: {  	_ = 	snop  }
0x7: {  	_ = 	snop  }
__scs_overlays_trampoline_lowered:
0x8: {  	[smem:$0x3FAA] =	sst s0  }
0x9: {  	[smem:$0x3FAB] =	sst s1  }
0xa: {  	[smem:$0x3FAC] =	sst s2  }
0xb: {  	[smem:$0x3FAD] =	sst s3  }
0xc: {  	[smem:$0x3FAE] =	sst s4  }
0xd: {  	[smem:$0x3FAF] =	sst s5  }
0xe: {  	[smem:$0x3FB0] =	sst s6  }
0xf: {  	[smem:$0x3FB1] =	sst s7  }
0x10: {  	[smem:$0x3FB2] =	sst s8  }
0x11: {  	[smem:$0x3FB3] =	sst s9;
	s0 =	simm.s32 @!p0 $0x0  }
0x12: {  	s1 =	sld [smem:$0x3F99];
	s0 =	simm.s32 @p0 $0x1  }
0x13: {  	[smem:$0x3FB4] =	sst s0;
	s0 =	simm.s32 @!p1 $0x0  }
0x14: {  	s2 =	sld [smem:$0x3F98];
	s0 =	simm.s32 @p1 $0x1  }
0x15: {  	[smem:$0x3FB5] =	sst s0;
	s0 =	simm.s32 @!p2 $0x0  }
0x16: {  	s3 =	sld [smem:$0x3FDB];
	s0 =	simm.s32 @p2 $0x1  }
0x17: {  	s4 =	simm.s32 $0x1BF5;
	[smem:$0x3FB7] =	sst s0  }
0x18: {  	s0 =	sld [smem:$0x3F9A];
	_ =	swait.ge [sflag:s4], $0x0  }
0x19: {  	s7 =	sld [smem:$0x3F9B]  }
0x1a: {  	s8 =	sadd.s32 $0xFFFFE003, lr  }
0x1b: {  	s9 =	sadd.s32 $0xFFFFFEF7, lr;
	s5 =	simm.s32 $0xFFFFFFFF;
	p2 =	slt.u32 s8, $0xFFFFF086  }
0x1c: {  	p1 =	slt.u32 s9, $0xF7A;
	s5 =	simm.s32 @!p2 $0x0  }
0x1d: {  	s5 =	simm.s32 @p1 $0x1;
	p0 =	seq.s32 s7, s2  }
0x1e: {  	s7 =	smul.u32 @!p0 $0xF7A, s2;
	p2 =	seq.s32 @!p0 s5, $0x0  }
0x1f: {  	s9 =	smul.u32 $0xF7A, s1;
	s8 =	simm.s32 @!p0 $0x1BF5;
	p2 =	por !p2, p0  }
0x20: {  	[sflag:s8] =	ssyncset.s32 @!p0 $0xFFFFF086;
	s6 =	sadd.s32 @!p0 s3, s7;
	s7 =	simm.s32 @!p0 $0x108  }
0x21: {  	s3 =	sadd.s32 s3, s9;
	s6 =	sadd.s32 @!p0 $0x88, s6;
	s7 =	simm.s32 @p2 $0x1082  }
0x22: {  	[simem:s7], [sflag:s8] =	dma.local @!p0 [hbm:s6], $0xF7A  }
0x23: {  	s9 =	sor.u32 $0xD0000000, s2;
	s6 =	simm.s32 $0x108;
	_ =	swait.ge @!p0 [sflag:s8], $0x0  }
0x24: {  	s3 =	sadd.s32 $0x88, s3;
	s6 =	simm.s32 @!p1 $0x1082;
	[sflag:s4] =	ssyncset.s32 $0xFFFFF086  }
0x25: {  	[simem:s6], [sflag:s4] =	dma.local [hbm:s3], $0xF7A  }
0x26: {  	[smem:$0x3F9B] =	sst s1;
	(tag) =	ssettag s2;
	_ =	strace s9  }
0x27: {  	s1 =	sld [smem:$0x3FAB]  }
0x28: {  	s2 =	sld [smem:$0x3FAC]  }
0x29: {  	s4 =	sld [smem:$0x3FAE]  }
0x2a: {  	p0 =	seq.s32 s5, $0x0;
	s5 =	sld [smem:$0x3FAF]  }
0x2b: {  	s6 =	sld [smem:$0x3FB0]  }
0x2c: {  	s7 =	sld [smem:$0x3FB1]  }
0x2d: {  	s3 =	simm.s32 $0x108;
	s8 =	sld [smem:$0x3FB2]  }
0x2e: {  	s3 =	simm.s32 @!p0 $0x1082;
	s9 =	sld [smem:$0x3FB3]  }
0x2f: {  	lr =	sadd.s32 s0, s3;
	s0 =	sld [smem:$0x3FAA]  }
0x30: {  	s3 =	sld [smem:$0x3FAD]  }
0x31: {  	[smem:$0x3FB6] =	sst s10  }
0x32: {  	s10 =	sld [smem:$0x3FB4];
	_ =	sdelay $0x3  }
0x33: {  	p0 =	seq.s32 s10, $0x1;
	s10 =	sld [smem:$0x3FB6];
	_ =	sdelay $0x3  }
0x34: {  	[smem:$0x3FB6] =	sst s10  }
0x35: {  	s10 =	sld [smem:$0x3FB5];
	_ =	sdelay $0x3  }
0x36: {  	p1 =	seq.s32 s10, $0x1;
	s10 =	sld [smem:$0x3FB6];
	_ =	sdelay $0x3  }
0x37: {  	[smem:$0x3FB6] =	sst s10  }
0x38: {  	s10 =	sld [smem:$0x3FB7]  }
0x39: {  	_ = 	snop;
	(pc) =	sbr.ind lr, $3  }
0x3a: {  	_ = 	snop  }
0x3b: {  	_ = 	snop  }
0x3c: {  	p2 =	seq.s32 s10, $0x1;
	s10 =	sld [smem:$0x3FB6]  }
0x3d: {  	_ =	shalt  }
0x3e: {  	_ =	shalt  }
0x3f: {  	_ =	shalt  }
0x40: {  	_ =	shalt  }
0x41: {  	_ =	shalt  }
0x42: {  	_ =	shalt  }
0x43: {  	_ =	shalt  }
0x44: {  	_ =	shalt  }
0x45: {  	_ =	shalt  }
0x46: {  	_ =	shalt  }
0x47: {  	_ =	shalt  }
0x48: {  	_ =	shalt  }
0x49: {  	_ =	shalt  }
0x4a: {  	_ =	shalt  }
0x4b: {  	_ =	shalt  }
0x4c: {  	_ =	shalt  }
0x4d: {  	_ =	shalt  }
0x4e: {  	_ =	shalt  }
0x4f: {  	_ =	shalt  }
0x50: {  	_ =	shalt  }
0x51: {  	_ =	shalt  }
0x52: {  	_ =	shalt  }
0x53: {  	_ =	shalt  }
0x54: {  	_ =	shalt  }
0x55: {  	_ =	shalt  }
0x56: {  	_ =	shalt  }
0x57: {  	_ =	shalt  }
0x58: {  	_ =	shalt  }
0x59: {  	_ =	shalt  }
0x5a: {  	_ =	shalt  }
0x5b: {  	_ =	shalt  }
0x5c: {  	_ =	shalt  }
0x5d: {  	_ =	shalt  }
0x5e: {  	_ =	shalt  }
0x5f: {  	_ =	shalt  }
0x60: {  	_ =	shalt  }
0x61: {  	_ =	shalt  }
0x62: {  	_ =	shalt  }
0x63: {  	_ =	shalt  }
0x64: {  	_ =	shalt  }
0x65: {  	_ =	shalt  }
0x66: {  	_ =	shalt  }
0x67: {  	_ =	shalt  }
0x68: {  	_ =	shalt  }
0x69: {  	_ =	shalt  }
0x6a: {  	_ =	shalt  }
0x6b: {  	_ =	shalt  }
0x6c: {  	_ =	shalt  }
0x6d: {  	_ =	shalt  }
0x6e: {  	_ =	shalt  }
0x6f: {  	_ =	shalt  }
0x70: {  	_ =	shalt  }
0x71: {  	_ =	shalt  }
0x72: {  	_ =	shalt  }
0x73: {  	_ =	shalt  }
0x74: {  	_ =	shalt  }
0x75: {  	_ =	shalt  }
0x76: {  	_ =	shalt  }
0x77: {  	_ =	shalt  }
0x78: {  	_ =	shalt  }
0x79: {  	_ =	shalt  }
0x7a: {  	_ =	shalt  }
0x7b: {  	_ =	shalt  }
0x7c: {  	_ =	shalt  }
0x7d: {  	_ =	shalt  }
0x7e: {  	_ =	shalt  }
0x7f: {  	_ =	shalt  }
0x80: {  	_ =	shalt  }
0x81: {  	_ =	shalt  }
0x82: {  	_ =	shalt  }
0x83: {  	_ =	shalt  }
0x84: {  	_ =	shalt  }
0x85: {  	_ =	shalt  }
0x86: {  	_ =	shalt  }
0x87: {  	_ =	shalt  }
.Lfunc_end0:
.L_simem_size_0:
called_computation_lowered:
.L_overlay_start_0:
0x88: {  	s2 =	sld [smem:$0x3FD9]  }
0x89: {  	s3 =	sld [smem:$0x3FFE];
	_ =	sdelay $0x1  }
0x8a: {  	s1 =	srdreg.scid  }
0x8b: {  	s0 =	sand.u32 $0x1, s1  }
0x8c: {  	s17 =	sshll.u32 s0, $0xA;
	s2 =	sadd.s32 s3, s2  }
0x8d: {  	s2 =	sadd.s32 s2, s17  }
0x8e: {  	[smem:$0x3FC2] =	sst s2  }
0x8f: {  	_ = 	snop  }
0x90: {  	s2 =	sld [smem:$0x3FD0];
	(tm) =	ssettm $0x1  }
0x91: {  	s18 =	sld [smem:$0x3FFB];
	_ =	sdelay $0x3  }
0x92: {  	_ =	strace s18  }
0x93: {  	s3 =	sld [smem:$0x3FFC];
	_ =	sdelay $0x3  }
0x94: {  	_ =	strace s3  }
0x95: {  	s3 =	sld [smem:$0x3FFD];
	_ =	sdelay $0x3  }
0x96: {  	_ =	strace s3  }
0x97: {  	_ =	strace $0x8FFFFFFF  }
0x98: {  	s19 =	sld [smem:$0x3FDB];
	_ =	sdelay $0x1  }
0x99: {  	s4 =	simm.s32 $_scs_section_size  }
0x9a: {  	s5 =	simm.s32 $_size__tile_overlayer_lowered;
	s6 =	simm.s32 $_tile_overlayer_lowered  }
0x9b: {  	s22 =	simm.s32 $0x1BFF;
	s21 =	sshll.u32 s6, $0x1;
	s3 =	sadd.s32 s4, s19  }
0x9c: {  	s7 =	simm.s32 $0x0;
	s20 =	sshll.u32 s5, $0x1;
	s5 =	sadd.s32 s21, s3  }
0x9d: {  	[timem:s7], [sflag:s22] =	dma.local [hbm:s5], s20  }
0x9e: {  	_ =	swait.ge [sflag:s22], s20  }
0x9f: {  	s4 =	ssub.s32 $0x0, s20;
	[sflag:s22] =	ssyncset.done $0x0  }
0xa0: {  	[sflag:s22] =	ssyncadd.s32 s4;
	_ =	sdelay $0x1  }
0xa1: {  	s23 =	simm.s32 $0x1B8B  }
0xa2: {  	_ =	swait.ge [sflag:s23], $0x1  }
0xa3: {  	[sflag:s23] =	ssyncset.done $0x0  }
0xa4: {  	s25 =	simm.s32 $0x1B8E;
	s24 =	sld [smem:$0x3FFE];
	[sflag:s23] =	ssyncadd.s32 $0xFFFFFFFF  }
0xa5: {  	s26 =	simm.s32 $execute0_lowered;
	[smem:$0x3FD2] =	sst s25  }
0xa6: {  	s5 =	sshll.u32 s26, $0x1;
	_ =	strace $0x80000046;
	[dreg:$0x1] =	wrdreg $0xFFFFFFFF  }
0xa7: {  	s28 =	simm.s32 $_size_execute0_lowered;
	s3 =	sadd.s32 s3, s5;
	[dreg:$0x0] =	wrdreg $0x0  }
0xa8: {  	s5 =	sshll.u32 s28, $0x1;
	[dreg:$0x2] =	wrdreg s3  }
0xa9: {  	[dreg:$0x3] =	wrdreg s5  }
0xaa: {  	[dreg:$0x4] =	wrdreg $0xC0  }
0xab: {  	_ =	task [dreg:s7], $0x5FFFF  }
0xac: {  	[dreg:$0x1] =	wrdreg $0xFFFFFFFF  }
0xad: {  	[dreg:$0x0] =	wrdreg $0x60  }
0xae: {  	[dreg:$0x2] =	wrdreg s24  }
0xaf: {  	[dreg:$0x3] =	wrdreg s2  }
0xb0: {  	[dreg:$0x4] =	wrdreg $0x9  }
0xb1: {  	_ =	task.clear_ibuf [dreg:s7], $0x5FFFF;
	_ =	strace $0x90000046  }
0xb2: {  	s29 =	simm.s32 $0x9;
	_ =	strace $0x80000048  }
0xb3: {  	_ =	swait.ge [sflag:s29], $0x1  }
0xb4: {  	[sflag:s29] =	ssyncadd.s32 $0xFFFFFFFF  }
0xb5: {  	_ =	strace $0x90000048  }
0xb6: {  	_ =	sfence  }
0xb7: {  	s30 =	sld [smem:$0x0];
	_ =	sdelay $0x2  }
0xb8: {  	s31 =	sshll.u32 s1, $0xD;
	s1 =	sshrl.u32 s1, $0x2  }
0xb9: {  	s3 =	sand.u32 $0x4000, s31;
	s1 =	sadd.s32 s1, s30  }
0xba: {  	s0 =	sor.u32 s3, s0;
	s1 =	sshll.u32 s1, $0x11  }
0xbb: {  	s0 =	sor.u32 s1, s0  }
0xbc: {  	s0 =	sadd.s32 $0x8F2B, s0  }
0xbd: {  	[sflag:s0] =	ssyncadd.remote.s32 $0x1  }
0xbe: {  	_ =	sfence.sel $0xFFFF  }
0xbf: {  	[dreg:$0x0] =	wrdreg $0xFFFFFFFF;
	(pc) =	sbr.abs _section_cstart, $3  }
0xc0: {  	[dreg:$0x1] =	wrdreg $0xFFFFFFFF  }
0xc1: {  	_ =	task.clear_ibuf [dreg:s7], $0x2FFFF;
	_ =	strace $0x9FFFFFFF  }
0xc2: {  	(tm) =	ssettm $0x7FFFFFFF  }
0xc3: {  	_ =	shalt  }
tec
execute0_lowered:
.L_overlay_start_1:
0x0: {  	(tag) =	ssettag $0x1  }
0x1: {  	s1 =	srdreg.scid;
	s0 =	stileid.u32  }
0x2: {  	s4 =	rddreg [dreg:$0x0];
	s3 =	sand.u32 $0x1, s1;
	s30 =	sshll.u32 s0, $0x1  }
0x3: {  	s5 =	rddreg [dreg:$0x1];
	s2 =	simm.s32 $0x0;
	s1 =	sor.u32 s3, s30  }
0x4: {  	[smem:$0x7FF] =	sst s2;
	s3 =	ssub.s32 $0x2, s3;
	s6 =	smul.u32 $0x2710, s1  }
0x5: {  	s8 =	simm.s32 $0x0;
	s1 =	rddreg [dreg:$0x2];
	s7 =	sshrl.u32 s3, $0x1  }
0x6: {  	_ =	strace $0x80000047;
	s7 =	ssub.s32 s3, s7;
	s6 =	sshrl.u32 s6, $0x3  }
0x7: {  	s31 =	sadd.s32 s4, s6;
	s4 =	sadd.s32 s5, s6;
	s5 =	smax.u32 s7, $0x1  }
0x8: {  	v0 =	vimm.f32 $0.0e+00;
	v1 =	vimm.f32 $1.000000000e+00;
	s6 =	simm.s32 $0x1;
	s7 =	simm.s32 $0x2710;
	s3 =	sadd.s32 $0xC040, s31  }
.LBB2_1:
0x9: {  	[tilespmem:s2], [sflag:$0x1] =	stream.linear.gather [hbm4b:s3+s2], $0x2710, $0x38;
	[tilespmem:$0x4E20] =	vst v63  }
0xa: {  	_ =	swait.ge [sflag:s6], $0x2710  }
0xb: {  	[sflag:s6] =	ssyncset.done $0x0  }
0xc: {  	s9 =	simm.s32 $0x0;
	[sflag:s6] =	ssyncadd.s32 $0xFFFFD8F0  }
.LBB2_2:
0xd: {  	p0 =	sne.s32 s9, $0x9C00  }
.Ltmp0:
0xe: {  	_ = 	snop;
	(pc) =	sbr.rel @p0 .LBB2_2-.Ltmp0, $3  }
0xf: {  	_ =	sdelay $0x1  }
0x10: {  	s10 =	sshra.s32 s9, $0x2  }
0x11: {  	s9 =	sadd.s32 $0x40, s9;
	[tilespmem:s10+$0x2710] =	vst v0  }
0x12: {  	s10 =	simm.s32 $0x0;
	s9 =	simm.s32 $0x40  }
.LBB2_4:
0x13: {  	p0 =	sne.s32 s9, $0x9C00;
	v2 =	vld [tilespmem:s10+$0x0];
	_ =	sdelay $0x3  }
.Ltmp1:
0x14: {  	(pc) =	sbr.rel @p0 .LBB2_4-.Ltmp1, $2  }
0x15: {  	_ =	sdelay $0x2  }
0x16: {  	s10 =	sshra.s32 s9, $0x2;
	s9 =	sadd.s32 $0x40, s9;
	[tilespmem:v2+s7+$0x0] =	vst.idx.add.f32.msk $0xffff, v1  }
0x17: {  	v2 =	vld [tilespmem:s10+$0x0];
	_ =	sdelay $0x5  }
0x18: {  	s8 =	sadd.s32 $0x1, s8  }
0x19: {  	p0 =	sne.s32 s8, s5  }
.Ltmp2:
0x1a: {  	[tilespmem:v2+s7+$0x0] =	vst.idx.add.f32.msk $0xffff, v1;
	(pc) =	sbr.rel @p0 .LBB2_1-.Ltmp2, $4  }
0x1b: {  	[hbm4b:s4+s2] =	stream.linear.scatter [tilespmem:s7], [sflag:$0x1], $0x2710, $0x38;
	[tilespmem:$0x4E20] =	vst v63  }
0x1c: {  	_ =	swait.ge [sflag:s6], $0x2710  }
0x1d: {  	[sflag:s6] =	ssyncset.done $0x0  }
0x1e: {  	[sflag:s6] =	ssyncadd.s32 $0xFFFFD8F0  }
0x1f: {  	_ =	sfence.sel $0x180000  }
0x20: {  	[bflag:$0x0] =	sbarrier.arrive $0xFFFF  }
0x21: {  	p0 =	sne.s32 s0, $0x0;
	_ =	strace $0x90000047  }
0x22: {  	s0 =	sadd.s32 @!p0 $0x100000, s1;
	[bflag:$0x2] =	sbarrier.arrive $0xFFFF  }
0x23: {  	[sflag:s0] =	ssyncadd.tile.s32 @!p0 $0x1;
	_ =	shalt  }
.Lfunc_end2:
_tile_overlayer_lowered:
.L_overlay_start_2:
0x24: {  	(tag) =	ssettag $0x2  }
0x25: {  	s0 =	rddreg [dreg:$0x0];
	s2 =	stileid.u32  }
0x26: {  	s1 =	rddreg [dreg:$0x1];
	p0 =	sne.s32 s2, $0x0  }
0x27: {  	s3 =	rddreg [dreg:$0x2];
	[bflag:$0x3] =	sbarrier.arrive $0xFFFF;
	s2 =	simm.s32 @!p0 $0x1C02  }
0x28: {  	[timem:s3], [sflag:s2] =	dma.local @!p0 [hbm:s0], s1  }
0x29: {  	s0 =	simm.s32 @!p0 $0x2  }
0x2a: {  	_ =	swait.ge @!p0 [sflag:s0], s1  }
0x2b: {  	s1 =	ssub.s32 @!p0 $0x0, s1;
	[sflag:s0] =	ssyncset.done @!p0 $0x0  }
0x2c: {  	[sflag:s0] =	ssyncadd.s32 @!p0 s1  }
0x2d: {  	[bflag:$0x3] =	sbarrier.arrive $0xFFFF  }
0x2e: {  	_ =	shalt  }

// kernel: kernel.13.cloned.1.call-start
scs
__scs_entry_jumppad:
0x0: {  	(pc) =	sbr.rel $0x88, $3  }
0x1: {  	(tag) =	ssettag $0x0;
	lr =	simm.s32 $0x1  }
0x2: {  	[smem:$0x3F9B] =	sst lr;
	_ =	strace $0xD0000000  }
0x3: {  	_ = 	snop  }
0x4: {  	_ = 	snop  }
0x5: {  	_ = 	snop  }
0x6: {  	_ = 	snop  }
0x7: {  	_ = 	snop  }
__scs_overlays_trampoline_lowered:
0x8: {  	[smem:$0x3FAA] =	sst s0  }
0x9: {  	[smem:$0x3FAB] =	sst s1  }
0xa: {  	[smem:$0x3FAC] =	sst s2  }
0xb: {  	[smem:$0x3FAD] =	sst s3  }
0xc: {  	[smem:$0x3FAE] =	sst s4  }
0xd: {  	[smem:$0x3FAF] =	sst s5  }
0xe: {  	[smem:$0x3FB0] =	sst s6  }
0xf: {  	[smem:$0x3FB1] =	sst s7  }
0x10: {  	[smem:$0x3FB2] =	sst s8  }
0x11: {  	[smem:$0x3FB3] =	sst s9;
	s0 =	simm.s32 @!p0 $0x0  }
0x12: {  	s1 =	sld [smem:$0x3F99];
	s0 =	simm.s32 @p0 $0x1  }
0x13: {  	[smem:$0x3FB4] =	sst s0;
	s0 =	simm.s32 @!p1 $0x0  }
0x14: {  	s2 =	sld [smem:$0x3F98];
	s0 =	simm.s32 @p1 $0x1  }
0x15: {  	[smem:$0x3FB5] =	sst s0;
	s0 =	simm.s32 @!p2 $0x0  }
0x16: {  	s3 =	sld [smem:$0x3FDB];
	s0 =	simm.s32 @p2 $0x1  }
0x17: {  	s4 =	simm.s32 $0x1BF5;
	[smem:$0x3FB7] =	sst s0  }
0x18: {  	s0 =	sld [smem:$0x3F9A];
	_ =	swait.ge [sflag:s4], $0x0  }
0x19: {  	s7 =	sld [smem:$0x3F9B]  }
0x1a: {  	s8 =	sadd.s32 $0xFFFFE003, lr  }
0x1b: {  	s9 =	sadd.s32 $0xFFFFFEF7, lr;
	s5 =	simm.s32 $0xFFFFFFFF;
	p2 =	slt.u32 s8, $0xFFFFF086  }
0x1c: {  	p1 =	slt.u32 s9, $0xF7A;
	s5 =	simm.s32 @!p2 $0x0  }
0x1d: {  	s5 =	simm.s32 @p1 $0x1;
	p0 =	seq.s32 s7, s2  }
0x1e: {  	s7 =	smul.u32 @!p0 $0xF7A, s2;
	p2 =	seq.s32 @!p0 s5, $0x0  }
0x1f: {  	s9 =	smul.u32 $0xF7A, s1;
	s8 =	simm.s32 @!p0 $0x1BF5;
	p2 =	por !p2, p0  }
0x20: {  	[sflag:s8] =	ssyncset.s32 @!p0 $0xFFFFF086;
	s6 =	sadd.s32 @!p0 s3, s7;
	s7 =	simm.s32 @!p0 $0x108  }
0x21: {  	s3 =	sadd.s32 s3, s9;
	s6 =	sadd.s32 @!p0 $0x88, s6;
	s7 =	simm.s32 @p2 $0x1082  }
0x22: {  	[simem:s7], [sflag:s8] =	dma.local @!p0 [hbm:s6], $0xF7A  }
0x23: {  	s9 =	sor.u32 $0xD0000000, s2;
	s6 =	simm.s32 $0x108;
	_ =	swait.ge @!p0 [sflag:s8], $0x0  }
0x24: {  	s3 =	sadd.s32 $0x88, s3;
	s6 =	simm.s32 @!p1 $0x1082;
	[sflag:s4] =	ssyncset.s32 $0xFFFFF086  }
0x25: {  	[simem:s6], [sflag:s4] =	dma.local [hbm:s3], $0xF7A  }
0x26: {  	[smem:$0x3F9B] =	sst s1;
	(tag) =	ssettag s2;
	_ =	strace s9  }
0x27: {  	s1 =	sld [smem:$0x3FAB]  }
0x28: {  	s2 =	sld [smem:$0x3FAC]  }
0x29: {  	s4 =	sld [smem:$0x3FAE]  }
0x2a: {  	p0 =	seq.s32 s5, $0x0;
	s5 =	sld [smem:$0x3FAF]  }
0x2b: {  	s6 =	sld [smem:$0x3FB0]  }
0x2c: {  	s7 =	sld [smem:$0x3FB1]  }
0x2d: {  	s3 =	simm.s32 $0x108;
	s8 =	sld [smem:$0x3FB2]  }
0x2e: {  	s3 =	simm.s32 @!p0 $0x1082;
	s9 =	sld [smem:$0x3FB3]  }
0x2f: {  	lr =	sadd.s32 s0, s3;
	s0 =	sld [smem:$0x3FAA]  }
0x30: {  	s3 =	sld [smem:$0x3FAD]  }
0x31: {  	[smem:$0x3FB6] =	sst s10  }
0x32: {  	s10 =	sld [smem:$0x3FB4];
	_ =	sdelay $0x3  }
0x33: {  	p0 =	seq.s32 s10, $0x1;
	s10 =	sld [smem:$0x3FB6];
	_ =	sdelay $0x3  }
0x34: {  	[smem:$0x3FB6] =	sst s10  }
0x35: {  	s10 =	sld [smem:$0x3FB5];
	_ =	sdelay $0x3  }
0x36: {  	p1 =	seq.s32 s10, $0x1;
	s10 =	sld [smem:$0x3FB6];
	_ =	sdelay $0x3  }
0x37: {  	[smem:$0x3FB6] =	sst s10  }
0x38: {  	s10 =	sld [smem:$0x3FB7]  }
0x39: {  	_ = 	snop;
	(pc) =	sbr.ind lr, $3  }
0x3a: {  	_ = 	snop  }
0x3b: {  	_ = 	snop  }
0x3c: {  	p2 =	seq.s32 s10, $0x1;
	s10 =	sld [smem:$0x3FB6]  }
0x3d: {  	_ =	shalt  }
0x3e: {  	_ =	shalt  }
0x3f: {  	_ =	shalt  }
0x40: {  	_ =	shalt  }
0x41: {  	_ =	shalt  }
0x42: {  	_ =	shalt  }
0x43: {  	_ =	shalt  }
0x44: {  	_ =	shalt  }
0x45: {  	_ =	shalt  }
0x46: {  	_ =	shalt  }
0x47: {  	_ =	shalt  }
0x48: {  	_ =	shalt  }
0x49: {  	_ =	shalt  }
0x4a: {  	_ =	shalt  }
0x4b: {  	_ =	shalt  }
0x4c: {  	_ =	shalt  }
0x4d: {  	_ =	shalt  }
0x4e: {  	_ =	shalt  }
0x4f: {  	_ =	shalt  }
0x50: {  	_ =	shalt  }
0x51: {  	_ =	shalt  }
0x52: {  	_ =	shalt  }
0x53: {  	_ =	shalt  }
0x54: {  	_ =	shalt  }
0x55: {  	_ =	shalt  }
0x56: {  	_ =	shalt  }
0x57: {  	_ =	shalt  }
0x58: {  	_ =	shalt  }
0x59: {  	_ =	shalt  }
0x5a: {  	_ =	shalt  }
0x5b: {  	_ =	shalt  }
0x5c: {  	_ =	shalt  }
0x5d: {  	_ =	shalt  }
0x5e: {  	_ =	shalt  }
0x5f: {  	_ =	shalt  }
0x60: {  	_ =	shalt  }
0x61: {  	_ =	shalt  }
0x62: {  	_ =	shalt  }
0x63: {  	_ =	shalt  }
0x64: {  	_ =	shalt  }
0x65: {  	_ =	shalt  }
0x66: {  	_ =	shalt  }
0x67: {  	_ =	shalt  }
0x68: {  	_ =	shalt  }
0x69: {  	_ =	shalt  }
0x6a: {  	_ =	shalt  }
0x6b: {  	_ =	shalt  }
0x6c: {  	_ =	shalt  }
0x6d: {  	_ =	shalt  }
0x6e: {  	_ =	shalt  }
0x6f: {  	_ =	shalt  }
0x70: {  	_ =	shalt  }
0x71: {  	_ =	shalt  }
0x72: {  	_ =	shalt  }
0x73: {  	_ =	shalt  }
0x74: {  	_ =	shalt  }
0x75: {  	_ =	shalt  }
0x76: {  	_ =	shalt  }
0x77: {  	_ =	shalt  }
0x78: {  	_ =	shalt  }
0x79: {  	_ =	shalt  }
0x7a: {  	_ =	shalt  }
0x7b: {  	_ =	shalt  }
0x7c: {  	_ =	shalt  }
0x7d: {  	_ =	shalt  }
0x7e: {  	_ =	shalt  }
0x7f: {  	_ =	shalt  }
0x80: {  	_ =	shalt  }
0x81: {  	_ =	shalt  }
0x82: {  	_ =	shalt  }
0x83: {  	_ =	shalt  }
0x84: {  	_ =	shalt  }
0x85: {  	_ =	shalt  }
0x86: {  	_ =	shalt  }
0x87: {  	_ =	shalt  }
.Lfunc_end0:
.L_simem_size_0:
called_computation.1_lowered:
.L_overlay_start_0:
0x88: {  	s2 =	sld [smem:$0x3FD9]  }
0x89: {  	s3 =	sld [smem:$0x3FFE];
	_ =	sdelay $0x1  }
0x8a: {  	s1 =	srdreg.scid  }
0x8b: {  	s0 =	sand.u32 $0x1, s1  }
0x8c: {  	s17 =	sshll.u32 s0, $0xA;
	s2 =	sadd.s32 s3, s2  }
0x8d: {  	s2 =	sadd.s32 s2, s17  }
0x8e: {  	[smem:$0x3FC2] =	sst s2  }
0x8f: {  	_ = 	snop  }
0x90: {  	s2 =	sld [smem:$0x3FD0];
	(tm) =	ssettm $0x1  }
0x91: {  	s18 =	sld [smem:$0x3FFB];
	_ =	sdelay $0x3  }
0x92: {  	_ =	strace s18  }
0x93: {  	s3 =	sld [smem:$0x3FFC];
	_ =	sdelay $0x3  }
0x94: {  	_ =	strace s3  }
0x95: {  	s3 =	sld [smem:$0x3FFD];
	_ =	sdelay $0x3  }
0x96: {  	_ =	strace s3  }
0x97: {  	_ =	strace $0x8FFFFFFF  }
0x98: {  	s19 =	sld [smem:$0x3FDB];
	_ =	sdelay $0x1  }
0x99: {  	s4 =	simm.s32 $_scs_section_size  }
0x9a: {  	s5 =	simm.s32 $_size__tile_overlayer_lowered;
	s6 =	simm.s32 $_tile_overlayer_lowered  }
0x9b: {  	s22 =	simm.s32 $0x1BFF;
	s21 =	sshll.u32 s6, $0x1;
	s3 =	sadd.s32 s4, s19  }
0x9c: {  	s7 =	simm.s32 $0x0;
	s20 =	sshll.u32 s5, $0x1;
	s5 =	sadd.s32 s21, s3  }
0x9d: {  	[timem:s7], [sflag:s22] =	dma.local [hbm:s5], s20  }
0x9e: {  	_ =	swait.ge [sflag:s22], s20  }
0x9f: {  	s4 =	ssub.s32 $0x0, s20;
	[sflag:s22] =	ssyncset.done $0x0  }
0xa0: {  	[sflag:s22] =	ssyncadd.s32 s4;
	_ =	sdelay $0x1  }
0xa1: {  	s23 =	simm.s32 $0x1B8B  }
0xa2: {  	_ =	swait.ge [sflag:s23], $0x1  }
0xa3: {  	[sflag:s23] =	ssyncset.done $0x0  }
0xa4: {  	s25 =	simm.s32 $0x1B8E;
	s24 =	sld [smem:$0x3FFE];
	[sflag:s23] =	ssyncadd.s32 $0xFFFFFFFF  }
0xa5: {  	s26 =	simm.s32 $execute0_lowered;
	[smem:$0x3FD2] =	sst s25  }
0xa6: {  	s5 =	sshll.u32 s26, $0x1;
	_ =	strace $0x80000049;
	[dreg:$0x1] =	wrdreg $0xFFFFFFFF  }
0xa7: {  	s28 =	simm.s32 $_size_execute0_lowered;
	s3 =	sadd.s32 s3, s5;
	[dreg:$0x0] =	wrdreg $0x0  }
0xa8: {  	s5 =	sshll.u32 s28, $0x1;
	[dreg:$0x2] =	wrdreg s3  }
0xa9: {  	[dreg:$0x3] =	wrdreg s5  }
0xaa: {  	[dreg:$0x4] =	wrdreg $0xC0  }
0xab: {  	_ =	task [dreg:s7], $0x5FFFF  }
0xac: {  	[dreg:$0x1] =	wrdreg $0xFFFFFFFF  }
0xad: {  	[dreg:$0x0] =	wrdreg $0x60  }
0xae: {  	[dreg:$0x2] =	wrdreg s2  }
0xaf: {  	[dreg:$0x3] =	wrdreg s24  }
0xb0: {  	[dreg:$0x4] =	wrdreg $0xC6200  }
0xb1: {  	[dreg:$0x5] =	wrdreg $0x9  }
0xb2: {  	_ =	task.clear_ibuf [dreg:s7], $0x6FFFF;
	_ =	strace $0x90000049  }
0xb3: {  	s29 =	simm.s32 $0x9;
	_ =	strace $0x8000004B  }
0xb4: {  	_ =	swait.ge [sflag:s29], $0x1  }
0xb5: {  	[sflag:s29] =	ssyncadd.s32 $0xFFFFFFFF  }
0xb6: {  	_ =	strace $0x9000004B  }
0xb7: {  	_ =	sfence  }
0xb8: {  	s30 =	sld [smem:$0x0];
	_ =	sdelay $0x2  }
0xb9: {  	s31 =	sshll.u32 s1, $0xD;
	s1 =	sshrl.u32 s1, $0x2  }
0xba: {  	s3 =	sand.u32 $0x4000, s31;
	s1 =	sadd.s32 s1, s30  }
0xbb: {  	s0 =	sor.u32 s3, s0;
	s1 =	sshll.u32 s1, $0x11  }
0xbc: {  	s0 =	sor.u32 s1, s0  }
0xbd: {  	s0 =	sadd.s32 $0x8F2B, s0  }
0xbe: {  	[sflag:s0] =	ssyncadd.remote.s32 $0x1  }
0xbf: {  	_ =	sfence.sel $0xFFFF  }
0xc0: {  	[dreg:$0x0] =	wrdreg $0xFFFFFFFF;
	(pc) =	sbr.abs _section_cstart, $3  }
0xc1: {  	[dreg:$0x1] =	wrdreg $0xFFFFFFFF  }
0xc2: {  	_ =	task.clear_ibuf [dreg:s7], $0x2FFFF;
	_ =	strace $0x9FFFFFFF  }
0xc3: {  	(tm) =	ssettm $0x7FFFFFFF  }
tec
execute0_lowered:
.L_overlay_start_1:
0x0: {  	(tag) =	ssettag $0x1  }
0x1: {  	s1 =	rddreg [dreg:$0x0]  }
0x2: {  	s2 =	srdreg.scid;
	s6 =	rddreg [dreg:$0x1]  }
0x3: {  	s0 =	stileid.u32;
	s3 =	rddreg [dreg:$0x2];
	s17 =	simm.s32 $0x1  }
0x4: {  	s18 =	simm.s32 $0x50;
	s19 =	simm.s32 $0x4E20;
	s20 =	simm.s32 $0x7620  }
0x5: {  	s21 =	simm.s32 $0x9E20;
	s22 =	simm.s32 $0x2;
	s29 =	simm.s32 $0x4DD0  }
0x6: {  	s30 =	simm.s32 $0x0;
	s2 =	sand.u32 $0x1, s2;
	s10 =	smul.u32 $0x13880, s0  }
0x7: {  	s4 =	sshll.u32 s0, $0x1;
	s11 =	sshll.u32 s0, $0x6;
	s12 =	smul.u32 $0x4E200, s0  }
0x8: {  	s5 =	sor.u32 s2, s4;
	s4 =	simm.s32 $0x0;
	s7 =	smul.u32 $0x27100, s2  }
0x9: {  	s2 =	ssub.s32 $0x2, s2;
	s5 =	smul.u32 $0x2710, s5;
	[smem:$0x7FF] =	sst s4  }
0xa: {  	s26 =	sshrl.u32 s2, $0x1;
	s24 =	sshrl.u32 s10, $0x3;
	s28 =	sshrl.u32 s12, $0x2  }
0xb: {  	s25 =	sadd.s32 s10, s3;
	s12 =	simm.s32 $0x5;
	_ =	strace $0x8000004A  }
0xc: {  	s9 =	sadd.s32 s7, s6;
	s2 =	ssub.s32 s2, s26;
	s31 =	sadd.s32 s28, s3  }
0xd: {  	s25 =	sshrl.u32 s25, $0x3;
	s26 =	simm.s32 $0x4;
	s5 =	sshrl.u32 s5, $0x3  }
0xe: {  	s23 =	sadd.s32 $0x16600, s9;
	s9 =	smax.u32 s2, $0x1;
	s13 =	sadd.s32 $0x3E80, s31  }
0xf: {  	s14 =	sadd.s32 $0x7D00, s31;
	s15 =	sadd.s32 $0xBB80, s31;
	s16 =	sadd.s32 $0xFA00, s31  }
0x10: {  	s8 =	sadd.s32 s5, s6;
	s5 =	sadd.s32 $0x15E00, s6;
	s13 =	sshrl.u32 s13, $0x3  }
0x11: {  	s14 =	sshrl.u32 s14, $0x3;
	s15 =	sshrl.u32 s15, $0x3;
	s16 =	sshrl.u32 s16, $0x3  }
0x12: {  	s23 =	sadd.s32 s24, s23;
	s24 =	simm.s32 $0x3;
	s6 =	sadd.s32 $0x2400, s8  }
0x13: {  	s7 =	sadd.s32 $0xC040, s8;
	s8 =	sor.u32 $0x1C05, s11;
	s11 =	sshrl.u32 s31, $0x3  }
.LBB2_1:
0x14: {  	[tilespmem:s4], [sflag:$0x1] =	stream.linear.gather [hbm4b:s6+s4], $0x2710, $0x38;
	[tilespmem:$0x1FEA0] =	vst v63  }
0x15: {  	s0 =	simm.s32 $0x2710  }
0x16: {  	[tilespmem:s0], [sflag:$0x1] =	stream.linear.gather [hbm4b:s7+s4], $0x2710, $0x38;
	[tilespmem:$0x1FEA0] =	vst v63  }
0x17: {  	[spmem:s11], [sflag:s8] =	dma.local [hbm:s5], $0x7D0  }
0x18: {  	_ =	swait.ge [sflag:s12], $0x7D0  }
0x19: {  	[sflag:s12] =	ssyncset.done $0x0  }
0x1a: {  	[sflag:s12] =	ssyncadd.s32 $0xFFFFF830  }
0x1b: {  	[spmem:s13], [sflag:s8] =	dma.local [hbm:s5], $0x7D0  }
0x1c: {  	_ =	swait.ge [sflag:s12], $0x7D0  }
0x1d: {  	[sflag:s12] =	ssyncset.done $0x0  }
0x1e: {  	[sflag:s12] =	ssyncadd.s32 $0xFFFFF830  }
0x1f: {  	[spmem:s14], [sflag:s8] =	dma.local [hbm:s5], $0x7D0  }
0x20: {  	_ =	swait.ge [sflag:s12], $0x7D0  }
0x21: {  	[sflag:s12] =	ssyncset.done $0x0  }
0x22: {  	[sflag:s12] =	ssyncadd.s32 $0xFFFFF830  }
0x23: {  	[spmem:s15], [sflag:s8] =	dma.local [hbm:s5], $0x7D0  }
0x24: {  	_ =	swait.ge [sflag:s12], $0x7D0  }
0x25: {  	[sflag:s12] =	ssyncset.done $0x0  }
0x26: {  	[sflag:s12] =	ssyncadd.s32 $0xFFFFF830  }
0x27: {  	[spmem:s16], [sflag:s8] =	dma.local [hbm:s5], $0x7D0  }
0x28: {  	_ =	swait.ge [sflag:s12], $0x7D0  }
0x29: {  	[sflag:s12] =	ssyncset.done $0x0  }
0x2a: {  	[sflag:s12] =	ssyncadd.s32 $0xFFFFF830  }
0x2b: {  	_ =	swait.ge [sflag:s17], $0x2710  }
0x2c: {  	[sflag:s17] =	ssyncset.done $0x0  }
0x2d: {  	[sflag:s17] =	ssyncadd.s32 $0xFFFFD8F0  }
0x2e: {  	_ =	swait.ge [sflag:s17], $0x2710  }
0x2f: {  	[sflag:s17] =	ssyncset.done $0x0  }
0x30: {  	[sflag:s17] =	ssyncadd.s32 $0xFFFFD8F0  }
0x31: {  	[tilespmem:s19], [sflag:$0x2] =	stream.indirect.gather [hbm4b:s1+s18], $0x80, s4, s18, $0xb8;
	[tilespmem:$0x1FEA0] =	vst v63  }
0x32: {  	_ = 	snop  }
0x33: {  	[tilespmem:s20], [sflag:$0x3] =	stream.indirect.gather [hbm4b:s1+s18], $0x80, s18, s18, $0xb8;
	[tilespmem:$0x1FEA0] =	vst v63  }
0x34: {  	s2 =	simm.s32 $0xA0;
	[bflag:$0x0] =	sbarrier.arrive $0xFFFF  }
0x35: {  	[tilespmem:s21], [sflag:$0x4] =	stream.indirect.gather [hbm4b:s1+s18], $0x80, s2, s18, $0xb8;
	[tilespmem:$0x1FEA0] =	vst v63  }
0x36: {  	_ =	swait.ge [sflag:s22], $0x2800  }
0x37: {  	[sflag:s22] =	ssyncset.done $0x0  }
0x38: {  	s10 =	simm.s32 $0x2710;
	[sflag:s22] =	ssyncadd.s32 $0xFFFFD800  }
0x39: {  	[spmem:s3] =	stream.indirect.scatter.add.f32 [tilespmem:s19], [sflag:$0x5], $0x80, s10, s18, $0xb8;
	[tilespmem:$0x1FEA0] =	vst v63  }
0x3a: {  	_ =	swait.ge [sflag:s12], $0x2800  }
0x3b: {  	[sflag:s12] =	ssyncset.done $0x0  }
0x3c: {  	s28 =	simm.s32 $0xF0;
	[sflag:s12] =	ssyncadd.s32 $0xFFFFD800  }
0x3d: {  	[tilespmem:s19], [sflag:$0x2] =	stream.indirect.gather [hbm4b:s1+s18], $0x80, s28, s18, $0xb8;
	[tilespmem:$0x1FEA0] =	vst v63  }
0x3e: {  	_ =	swait.ge [sflag:s24], $0x2800  }
0x3f: {  	[sflag:s24] =	ssyncset.done $0x0  }
0x40: {  	s0 =	simm.s32 $0x2760;
	[sflag:s24] =	ssyncadd.s32 $0xFFFFD800  }
0x41: {  	[spmem:s3] =	stream.indirect.scatter.add.f32 [tilespmem:s20], [sflag:$0x5], $0x80, s0, s18, $0xb8;
	[tilespmem:$0x1FEA0] =	vst v63  }
0x42: {  	_ =	swait.ge [sflag:s12], $0x2800  }
0x43: {  	[sflag:s12] =	ssyncset.done $0x0  }
0x44: {  	s10 =	simm.s32 $0x140;
	[sflag:s12] =	ssyncadd.s32 $0xFFFFD800  }
0x45: {  	[tilespmem:s20], [sflag:$0x3] =	stream.indirect.gather [hbm4b:s1+s18], $0x80, s10, s18, $0xb8;
	[tilespmem:$0x1FEA0] =	vst v63  }
0x46: {  	_ =	swait.ge [sflag:s26], $0x2800  }
0x47: {  	[sflag:s26] =	ssyncset.done $0x0  }
0x48: {  	s28 =	simm.s32 $0x27B0;
	[sflag:s26] =	ssyncadd.s32 $0xFFFFD800  }
0x49: {  	[spmem:s3] =	stream.indirect.scatter.add.f32 [tilespmem:s21], [sflag:$0x5], $0x80, s28, s18, $0xb8;
	[tilespmem:$0x1FEA0] =	vst v63  }
0x4a: {  	_ =	swait.ge [sflag:s12], $0x2800  }
0x4b: {  	s31 =	simm.s32 $0xF0;
	s2 =	simm.s32 $0x780;
	[sflag:s12] =	ssyncset.done $0x0  }
.LBB2_2:
0x4c: {  	s0 =	sadd.s32 $0xA0, s31  }
0x4d: {  	[sflag:s12] =	ssyncadd.s32 $0xFFFFD800;
	s10 =	smov.u32 s2;
	s28 =	sadd.s32 $0x3C0, s2  }
0x4e: {  	[tilespmem:s21], [sflag:$0x4] =	stream.indirect.gather [hbm4b:s1+s18], $0x80, s0, s18, $0xb8;
	[tilespmem:$0x1FEA0] =	vst v63  }
0x4f: {  	p0 =	sne.s32 s2, $0x9600;
	_ =	swait.ge [sflag:s22], $0x2800  }
0x50: {  	[sflag:s22] =	ssyncset.done $0x0  }
0x51: {  	s0 =	sadd.s32 $0x2710, s31;
	[sflag:s22] =	ssyncadd.s32 $0xFFFFD800  }
0x52: {  	[spmem:s3] =	stream.indirect.scatter.add.f32 [tilespmem:s19], [sflag:$0x5], $0x80, s0, s18, $0xb8;
	[tilespmem:$0x1FEA0] =	vst v63  }
0x53: {  	_ =	swait.ge [sflag:s12], $0x2800  }
0x54: {  	[sflag:s12] =	ssyncset.done $0x0  }
0x55: {  	s0 =	sadd.s32 $0xF0, s31;
	[sflag:s12] =	ssyncadd.s32 $0xFFFFD800  }
0x56: {  	[tilespmem:s19], [sflag:$0x2] =	stream.indirect.gather [hbm4b:s1+s18], $0x80, s0, s18, $0xb8;
	[tilespmem:$0x1FEA0] =	vst v63  }
0x57: {  	_ =	swait.ge [sflag:s24], $0x2800  }
0x58: {  	[sflag:s24] =	ssyncset.done $0x0  }
0x59: {  	s0 =	sadd.s32 $0x2760, s31;
	[sflag:s24] =	ssyncadd.s32 $0xFFFFD800  }
0x5a: {  	[spmem:s3] =	stream.indirect.scatter.add.f32 [tilespmem:s20], [sflag:$0x5], $0x80, s0, s18, $0xb8;
	[tilespmem:$0x1FEA0] =	vst v63  }
0x5b: {  	_ =	swait.ge [sflag:s12], $0x2800  }
0x5c: {  	[sflag:s12] =	ssyncset.done $0x0  }
0x5d: {  	s0 =	sadd.s32 $0x140, s31;
	[sflag:s12] =	ssyncadd.s32 $0xFFFFD800  }
0x5e: {  	[tilespmem:s20], [sflag:$0x3] =	stream.indirect.gather [hbm4b:s1+s18], $0x80, s0, s18, $0xb8;
	[tilespmem:$0x1FEA0] =	vst v63  }
0x5f: {  	_ =	swait.ge [sflag:s26], $0x2800  }
.Ltmp0:
0x60: {  	[sflag:s26] =	ssyncset.done $0x0;
	(pc) =	sbr.rel @p0 .LBB2_2-.Ltmp0, $4  }
0x61: {  	s0 =	sadd.s32 $0x27B0, s31;
	[sflag:s26] =	ssyncadd.s32 $0xFFFFD800  }
0x62: {  	[spmem:s3] =	stream.indirect.scatter.add.f32 [tilespmem:s21], [sflag:$0x5], $0x80, s0, s18, $0xb8;
	[tilespmem:$0x1FEA0] =	vst v63  }
0x63: {  	_ =	swait.ge [sflag:s12], $0x2800  }
0x64: {  	s2 =	smov.u32 s28;
	s31 =	sshra.s32 s10, $0x2;
	[sflag:s12] =	ssyncset.done $0x0  }
0x65: {  	s0 =	sadd.s32 $0xA0, s31;
	[sflag:s12] =	ssyncadd.s32 $0xFFFFD800  }
0x66: {  	[tilespmem:s21], [sflag:$0x4] =	stream.indirect.gather [hbm4b:s1+s18], $0x80, s0, s18, $0xb8;
	[tilespmem:$0x1FEA0] =	vst v63  }
0x67: {  	_ =	swait.ge [sflag:s22], $0x2800  }
0x68: {  	[sflag:s22] =	ssyncset.done $0x0  }
0x69: {  	s10 =	sadd.s32 $0x2710, s31;
	[sflag:s22] =	ssyncadd.s32 $0xFFFFD800  }
0x6a: {  	[spmem:s3] =	stream.indirect.scatter.add.f32 [tilespmem:s19], [sflag:$0x5], $0x80, s10, s18, $0xb8;
	[tilespmem:$0x1FEA0] =	vst v63  }
0x6b: {  	_ =	swait.ge [sflag:s12], $0x2800  }
0x6c: {  	[sflag:s12] =	ssyncset.done $0x0  }
0x6d: {  	s28 =	sadd.s32 $0xF0, s31;
	[sflag:s12] =	ssyncadd.s32 $0xFFFFD800  }
0x6e: {  	[tilespmem:s19], [sflag:$0x2] =	stream.indirect.gather [hbm4b:s1+s18], $0x80, s28, s18, $0xb8;
	[tilespmem:$0x1FEA0] =	vst v63  }
0x6f: {  	_ =	swait.ge [sflag:s24], $0x2800  }
0x70: {  	[sflag:s24] =	ssyncset.done $0x0  }
0x71: {  	s2 =	sadd.s32 $0x2760, s31;
	[sflag:s24] =	ssyncadd.s32 $0xFFFFD800  }
0x72: {  	[spmem:s3] =	stream.indirect.scatter.add.f32 [tilespmem:s20], [sflag:$0x5], $0x80, s2, s18, $0xb8;
	[tilespmem:$0x1FEA0] =	vst v63  }
0x73: {  	_ =	swait.ge [sflag:s12], $0x2800  }
0x74: {  	[sflag:s12] =	ssyncset.done $0x0  }
0x75: {  	s10 =	sadd.s32 $0x140, s31;
	[sflag:s12] =	ssyncadd.s32 $0xFFFFD800  }
0x76: {  	[tilespmem:s20], [sflag:$0x3] =	stream.indirect.gather [hbm4b:s1+s18], $0x80, s10, s18, $0xb8;
	[tilespmem:$0x1FEA0] =	vst v63  }
0x77: {  	_ =	swait.ge [sflag:s26], $0x2800  }
0x78: {  	[sflag:s26] =	ssyncset.done $0x0  }
0x79: {  	s28 =	sadd.s32 $0x27B0, s31;
	[sflag:s26] =	ssyncadd.s32 $0xFFFFD800  }
0x7a: {  	[spmem:s3] =	stream.indirect.scatter.add.f32 [tilespmem:s21], [sflag:$0x5], $0x80, s28, s18, $0xb8;
	[tilespmem:$0x1FEA0] =	vst v63  }
0x7b: {  	_ =	swait.ge [sflag:s12], $0x2800  }
0x7c: {  	[sflag:s12] =	ssyncset.done $0x0  }
0x7d: {  	[sflag:s12] =	ssyncadd.s32 $0xFFFFD800  }
0x7e: {  	_ =	swait.ge [sflag:s22], $0x2800  }
0x7f: {  	[sflag:s22] =	ssyncset.done $0x0  }
0x80: {  	s31 =	simm.s32 $0x4D80;
	[sflag:s22] =	ssyncadd.s32 $0xFFFFD800  }
0x81: {  	[spmem:s3] =	stream.indirect.scatter.add.f32 [tilespmem:s19], [sflag:$0x5], $0x80, s31, s18, $0xb8;
	[tilespmem:$0x1FEA0] =	vst v63  }
0x82: {  	_ =	swait.ge [sflag:s12], $0x2800  }
0x83: {  	[sflag:s12] =	ssyncset.done $0x0  }
0x84: {  	[sflag:s12] =	ssyncadd.s32 $0xFFFFD800  }
0x85: {  	_ =	swait.ge [sflag:s24], $0x2800  }
0x86: {  	[sflag:s24] =	ssyncset.done $0x0  }
0x87: {  	[sflag:s24] =	ssyncadd.s32 $0xFFFFD800  }
0x88: {  	[spmem:s3] =	stream.indirect.scatter.add.f32 [tilespmem:s20], [sflag:$0x5], $0x80, s29, s18, $0xb8;
	[tilespmem:$0x1FEA0] =	vst v63  }
0x89: {  	_ =	swait.ge [sflag:s12], $0x2800  }
0x8a: {  	s30 =	sadd.s32 $0x1, s30;
	[sflag:s12] =	ssyncset.done $0x0  }
0x8b: {  	p0 =	sne.s32 s30, s9;
	[sflag:s12] =	ssyncadd.s32 $0xFFFFD800  }
.Ltmp1:
0x8c: {  	[bflag:$0x0] =	sbarrier.arrive $0xFFFF;
	(pc) =	sbr.rel @p0 .LBB2_1-.Ltmp1, $4  }
0x8d: {  	[hbm:s23], [sflag:s8] =	dma.local [spmem:s25], $0x2710  }
0x8e: {  	_ =	swait.ge [sflag:s12], $0x2710  }
0x8f: {  	[sflag:s12] =	ssyncset.done $0x0  }
0x90: {  	[sflag:s12] =	ssyncadd.s32 $0xFFFFD8F0  }
0x91: {  	_ =	sfence.sel $0x180000  }
0x92: {  	[bflag:$0x0] =	sbarrier.arrive $0xFFFF  }
0x93: {  	_ =	strace $0x9000004A  }
0x94: {  	s0 =	stileid.u32;
	[bflag:$0x2] =	sbarrier.arrive $0xFFFF  }
0x95: {  	p0 =	sne.s32 s0, $0x0;
	s0 =	rddreg [dreg:$0x3]  }
0x96: {  	s0 =	sadd.s32 @!p0 $0x100000, s0  }
0x97: {  	[sflag:s0] =	ssyncadd.tile.s32 @!p0 $0x1;
	_ =	shalt  }
.Lfunc_end2:
_tile_overlayer_lowered:
.L_overlay_start_2:
0x98: {  	(tag) =	ssettag $0x2  }
0x99: {  	s0 =	rddreg [dreg:$0x0];
	s2 =	stileid.u32  }
0x9a: {  	s1 =	rddreg [dreg:$0x1];
	p0 =	sne.s32 s2, $0x0  }
0x9b: {  	s3 =	rddreg [dreg:$0x2];
	[bflag:$0x3] =	sbarrier.arrive $0xFFFF;
	s2 =	simm.s32 @!p0 $0x1C05  }
0x9c: {  	[timem:s3], [sflag:s2] =	dma.local @!p0 [hbm:s0], s1  }
0x9d: {  	s0 =	simm.s32 @!p0 $0x5  }
0x9e: {  	_ =	swait.ge @!p0 [sflag:s0], s1  }
0x9f: {  	s1 =	ssub.s32 @!p0 $0x0, s1;
	[sflag:s0] =	ssyncset.done @!p0 $0x0  }
0xa0: {  	[sflag:s0] =	ssyncadd.s32 @!p0 s1  }
0xa1: {  	[bflag:$0x3] =	sbarrier.arrive $0xFFFF  }
0xa2: {  	_ =	shalt  }

// kernel: kernel.16.cloned.1.call-start
scs
__scs_entry_jumppad:
0x0: {  	(pc) =	sbr.rel $0x88, $3  }
0x1: {  	(tag) =	ssettag $0x0;
	lr =	simm.s32 $0x1  }
0x2: {  	[smem:$0x3F9B] =	sst lr;
	_ =	strace $0xD0000000  }
0x3: {  	_ = 	snop  }
0x4: {  	_ = 	snop  }
0x5: {  	_ = 	snop  }
0x6: {  	_ = 	snop  }
0x7: {  	_ = 	snop  }
__scs_overlays_trampoline_lowered:
0x8: {  	[smem:$0x3FAA] =	sst s0  }
0x9: {  	[smem:$0x3FAB] =	sst s1  }
0xa: {  	[smem:$0x3FAC] =	sst s2  }
0xb: {  	[smem:$0x3FAD] =	sst s3  }
0xc: {  	[smem:$0x3FAE] =	sst s4  }
0xd: {  	[smem:$0x3FAF] =	sst s5  }
0xe: {  	[smem:$0x3FB0] =	sst s6  }
0xf: {  	[smem:$0x3FB1] =	sst s7  }
0x10: {  	[smem:$0x3FB2] =	sst s8  }
0x11: {  	[smem:$0x3FB3] =	sst s9;
	s0 =	simm.s32 @!p0 $0x0  }
0x12: {  	s1 =	sld [smem:$0x3F99];
	s0 =	simm.s32 @p0 $0x1  }
0x13: {  	[smem:$0x3FB4] =	sst s0;
	s0 =	simm.s32 @!p1 $0x0  }
0x14: {  	s2 =	sld [smem:$0x3F98];
	s0 =	simm.s32 @p1 $0x1  }
0x15: {  	[smem:$0x3FB5] =	sst s0;
	s0 =	simm.s32 @!p2 $0x0  }
0x16: {  	s3 =	sld [smem:$0x3FDB];
	s0 =	simm.s32 @p2 $0x1  }
0x17: {  	s4 =	simm.s32 $0x1BF5;
	[smem:$0x3FB7] =	sst s0  }
0x18: {  	s0 =	sld [smem:$0x3F9A];
	_ =	swait.ge [sflag:s4], $0x0  }
0x19: {  	s7 =	sld [smem:$0x3F9B]  }
0x1a: {  	s8 =	sadd.s32 $0xFFFFE003, lr  }
0x1b: {  	s9 =	sadd.s32 $0xFFFFFEF7, lr;
	s5 =	simm.s32 $0xFFFFFFFF;
	p2 =	slt.u32 s8, $0xFFFFF086  }
0x1c: {  	p1 =	slt.u32 s9, $0xF7A;
	s5 =	simm.s32 @!p2 $0x0  }
0x1d: {  	s5 =	simm.s32 @p1 $0x1;
	p0 =	seq.s32 s7, s2  }
0x1e: {  	s7 =	smul.u32 @!p0 $0xF7A, s2;
	p2 =	seq.s32 @!p0 s5, $0x0  }
0x1f: {  	s9 =	smul.u32 $0xF7A, s1;
	s8 =	simm.s32 @!p0 $0x1BF5;
	p2 =	por !p2, p0  }
0x20: {  	[sflag:s8] =	ssyncset.s32 @!p0 $0xFFFFF086;
	s6 =	sadd.s32 @!p0 s3, s7;
	s7 =	simm.s32 @!p0 $0x108  }
0x21: {  	s3 =	sadd.s32 s3, s9;
	s6 =	sadd.s32 @!p0 $0x88, s6;
	s7 =	simm.s32 @p2 $0x1082  }
0x22: {  	[simem:s7], [sflag:s8] =	dma.local @!p0 [hbm:s6], $0xF7A  }
0x23: {  	s9 =	sor.u32 $0xD0000000, s2;
	s6 =	simm.s32 $0x108;
	_ =	swait.ge @!p0 [sflag:s8], $0x0  }
0x24: {  	s3 =	sadd.s32 $0x88, s3;
	s6 =	simm.s32 @!p1 $0x1082;
	[sflag:s4] =	ssyncset.s32 $0xFFFFF086  }
0x25: {  	[simem:s6], [sflag:s4] =	dma.local [hbm:s3], $0xF7A  }
0x26: {  	[smem:$0x3F9B] =	sst s1;
	(tag) =	ssettag s2;
	_ =	strace s9  }
0x27: {  	s1 =	sld [smem:$0x3FAB]  }
0x28: {  	s2 =	sld [smem:$0x3FAC]  }
0x29: {  	s4 =	sld [smem:$0x3FAE]  }
0x2a: {  	p0 =	seq.s32 s5, $0x0;
	s5 =	sld [smem:$0x3FAF]  }
0x2b: {  	s6 =	sld [smem:$0x3FB0]  }
0x2c: {  	s7 =	sld [smem:$0x3FB1]  }
0x2d: {  	s3 =	simm.s32 $0x108;
	s8 =	sld [smem:$0x3FB2]  }
0x2e: {  	s3 =	simm.s32 @!p0 $0x1082;
	s9 =	sld [smem:$0x3FB3]  }
0x2f: {  	lr =	sadd.s32 s0, s3;
	s0 =	sld [smem:$0x3FAA]  }
0x30: {  	s3 =	sld [smem:$0x3FAD]  }
0x31: {  	[smem:$0x3FB6] =	sst s10  }
0x32: {  	s10 =	sld [smem:$0x3FB4];
	_ =	sdelay $0x3  }
0x33: {  	p0 =	seq.s32 s10, $0x1;
	s10 =	sld [smem:$0x3FB6];
	_ =	sdelay $0x3  }
0x34: {  	[smem:$0x3FB6] =	sst s10  }
0x35: {  	s10 =	sld [smem:$0x3FB5];
	_ =	sdelay $0x3  }
0x36: {  	p1 =	seq.s32 s10, $0x1;
	s10 =	sld [smem:$0x3FB6];
	_ =	sdelay $0x3  }
0x37: {  	[smem:$0x3FB6] =	sst s10  }
0x38: {  	s10 =	sld [smem:$0x3FB7]  }
0x39: {  	_ = 	snop;
	(pc) =	sbr.ind lr, $3  }
0x3a: {  	_ = 	snop  }
0x3b: {  	_ = 	snop  }
0x3c: {  	p2 =	seq.s32 s10, $0x1;
	s10 =	sld [smem:$0x3FB6]  }
0x3d: {  	_ =	shalt  }
0x3e: {  	_ =	shalt  }
0x3f: {  	_ =	shalt  }
0x40: {  	_ =	shalt  }
0x41: {  	_ =	shalt  }
0x42: {  	_ =	shalt  }
0x43: {  	_ =	shalt  }
0x44: {  	_ =	shalt  }
0x45: {  	_ =	shalt  }
0x46: {  	_ =	shalt  }
0x47: {  	_ =	shalt  }
0x48: {  	_ =	shalt  }
0x49: {  	_ =	shalt  }
0x4a: {  	_ =	shalt  }
0x4b: {  	_ =	shalt  }
0x4c: {  	_ =	shalt  }
0x4d: {  	_ =	shalt  }
0x4e: {  	_ =	shalt  }
0x4f: {  	_ =	shalt  }
0x50: {  	_ =	shalt  }
0x51: {  	_ =	shalt  }
0x52: {  	_ =	shalt  }
0x53: {  	_ =	shalt  }
0x54: {  	_ =	shalt  }
0x55: {  	_ =	shalt  }
0x56: {  	_ =	shalt  }
0x57: {  	_ =	shalt  }
0x58: {  	_ =	shalt  }
0x59: {  	_ =	shalt  }
0x5a: {  	_ =	shalt  }
0x5b: {  	_ =	shalt  }
0x5c: {  	_ =	shalt  }
0x5d: {  	_ =	shalt  }
0x5e: {  	_ =	shalt  }
0x5f: {  	_ =	shalt  }
0x60: {  	_ =	shalt  }
0x61: {  	_ =	shalt  }
0x62: {  	_ =	shalt  }
0x63: {  	_ =	shalt  }
0x64: {  	_ =	shalt  }
0x65: {  	_ =	shalt  }
0x66: {  	_ =	shalt  }
0x67: {  	_ =	shalt  }
0x68: {  	_ =	shalt  }
0x69: {  	_ =	shalt  }
0x6a: {  	_ =	shalt  }
0x6b: {  	_ =	shalt  }
0x6c: {  	_ =	shalt  }
0x6d: {  	_ =	shalt  }
0x6e: {  	_ =	shalt  }
0x6f: {  	_ =	shalt  }
0x70: {  	_ =	shalt  }
0x71: {  	_ =	shalt  }
0x72: {  	_ =	shalt  }
0x73: {  	_ =	shalt  }
0x74: {  	_ =	shalt  }
0x75: {  	_ =	shalt  }
0x76: {  	_ =	shalt  }
0x77: {  	_ =	shalt  }
0x78: {  	_ =	shalt  }
0x79: {  	_ =	shalt  }
0x7a: {  	_ =	shalt  }
0x7b: {  	_ =	shalt  }
0x7c: {  	_ =	shalt  }
0x7d: {  	_ =	shalt  }
0x7e: {  	_ =	shalt  }
0x7f: {  	_ =	shalt  }
0x80: {  	_ =	shalt  }
0x81: {  	_ =	shalt  }
0x82: {  	_ =	shalt  }
0x83: {  	_ =	shalt  }
0x84: {  	_ =	shalt  }
0x85: {  	_ =	shalt  }
0x86: {  	_ =	shalt  }
0x87: {  	_ =	shalt  }
.Lfunc_end0:
.L_simem_size_0:
called_computation.2_lowered:
.L_overlay_start_0:
0x88: {  	s2 =	sld [smem:$0x3FD9]  }
0x89: {  	s3 =	sld [smem:$0x3FFE];
	_ =	sdelay $0x1  }
0x8a: {  	s1 =	srdreg.scid  }
0x8b: {  	s0 =	sand.u32 $0x1, s1  }
0x8c: {  	s17 =	sshll.u32 s0, $0xA;
	s2 =	sadd.s32 s3, s2  }
0x8d: {  	s2 =	sadd.s32 s2, s17  }
0x8e: {  	[smem:$0x3FC2] =	sst s2  }
0x8f: {  	_ = 	snop  }
0x90: {  	s2 =	sld [smem:$0x3FD0];
	(tm) =	ssettm $0x1  }
0x91: {  	s18 =	sld [smem:$0x3FFB];
	_ =	sdelay $0x3  }
0x92: {  	_ =	strace s18  }
0x93: {  	s3 =	sld [smem:$0x3FFC];
	_ =	sdelay $0x3  }
0x94: {  	_ =	strace s3  }
0x95: {  	s3 =	sld [smem:$0x3FFD];
	_ =	sdelay $0x3  }
0x96: {  	_ =	strace s3  }
0x97: {  	_ =	strace $0x8FFFFFFF  }
0x98: {  	s19 =	sld [smem:$0x3FDB];
	_ =	sdelay $0x1  }
0x99: {  	s4 =	simm.s32 $_scs_section_size  }
0x9a: {  	s5 =	simm.s32 $_size__tile_overlayer_lowered;
	s6 =	simm.s32 $_tile_overlayer_lowered  }
0x9b: {  	s22 =	simm.s32 $0x1BFF;
	s21 =	sshll.u32 s6, $0x1;
	s3 =	sadd.s32 s4, s19  }
0x9c: {  	s7 =	simm.s32 $0x0;
	s20 =	sshll.u32 s5, $0x1;
	s5 =	sadd.s32 s21, s3  }
0x9d: {  	[timem:s7], [sflag:s22] =	dma.local [hbm:s5], s20  }
0x9e: {  	_ =	swait.ge [sflag:s22], s20  }
0x9f: {  	s4 =	ssub.s32 $0x0, s20;
	[sflag:s22] =	ssyncset.done $0x0  }
0xa0: {  	[sflag:s22] =	ssyncadd.s32 s4;
	_ =	sdelay $0x1  }
0xa1: {  	s23 =	simm.s32 $0x1B8B  }
0xa2: {  	_ =	swait.ge [sflag:s23], $0x1  }
0xa3: {  	[sflag:s23] =	ssyncset.done $0x0  }
0xa4: {  	s25 =	simm.s32 $0x1B8E;
	s24 =	sld [smem:$0x3FFE];
	[sflag:s23] =	ssyncadd.s32 $0xFFFFFFFF  }
0xa5: {  	s26 =	simm.s32 $execute0_lowered;
	[smem:$0x3FD2] =	sst s25  }
0xa6: {  	s5 =	sshll.u32 s26, $0x1;
	_ =	strace $0x8000004C;
	[dreg:$0x1] =	wrdreg $0xFFFFFFFF  }
0xa7: {  	s28 =	simm.s32 $_size_execute0_lowered;
	s3 =	sadd.s32 s3, s5;
	[dreg:$0x0] =	wrdreg $0x0  }
0xa8: {  	s5 =	sshll.u32 s28, $0x1;
	[dreg:$0x2] =	wrdreg s3  }
0xa9: {  	[dreg:$0x3] =	wrdreg s5  }
0xaa: {  	[dreg:$0x4] =	wrdreg $0xC0  }
0xab: {  	_ =	task [dreg:s7], $0x5FFFF  }
0xac: {  	[dreg:$0x1] =	wrdreg $0xFFFFFFFF  }
0xad: {  	[dreg:$0x0] =	wrdreg $0x60  }
0xae: {  	[dreg:$0x2] =	wrdreg s2  }
0xaf: {  	[dreg:$0x3] =	wrdreg s24  }
0xb0: {  	[dreg:$0x4] =	wrdreg $0xC6200  }
0xb1: {  	[dreg:$0x5] =	wrdreg $0x9  }
0xb2: {  	_ =	task.clear_ibuf [dreg:s7], $0x6FFFF;
	_ =	strace $0x9000004C  }
0xb3: {  	s29 =	simm.s32 $0x9;
	_ =	strace $0x8000004E  }
0xb4: {  	_ =	swait.ge [sflag:s29], $0x1  }
0xb5: {  	[sflag:s29] =	ssyncadd.s32 $0xFFFFFFFF  }
0xb6: {  	_ =	strace $0x9000004E  }
0xb7: {  	_ =	sfence  }
0xb8: {  	s30 =	sld [smem:$0x0];
	_ =	sdelay $0x2  }
0xb9: {  	s31 =	sshll.u32 s1, $0xD;
	s1 =	sshrl.u32 s1, $0x2  }
0xba: {  	s3 =	sand.u32 $0x4000, s31;
	s1 =	sadd.s32 s1, s30  }
0xbb: {  	s0 =	sor.u32 s3, s0;
	s1 =	sshll.u32 s1, $0x11  }
0xbc: {  	s0 =	sor.u32 s1, s0  }
0xbd: {  	s0 =	sadd.s32 $0x8F2B, s0  }
0xbe: {  	[sflag:s0] =	ssyncadd.remote.s32 $0x1  }
0xbf: {  	_ =	sfence.sel $0xFFFF  }
0xc0: {  	[dreg:$0x0] =	wrdreg $0xFFFFFFFF;
	(pc) =	sbr.abs _section_cstart, $3  }
0xc1: {  	[dreg:$0x1] =	wrdreg $0xFFFFFFFF  }
0xc2: {  	_ =	task.clear_ibuf [dreg:s7], $0x2FFFF;
	_ =	strace $0x9FFFFFFF  }
0xc3: {  	(tm) =	ssettm $0x7FFFFFFF  }
tec
execute0_lowered:
.L_overlay_start_1:
0x0: {  	(tag) =	ssettag $0x1  }
0x1: {  	s1 =	rddreg [dreg:$0x0]  }
0x2: {  	s2 =	srdreg.scid;
	s6 =	rddreg [dreg:$0x1]  }
0x3: {  	s0 =	stileid.u32;
	s3 =	rddreg [dreg:$0x2];
	s17 =	simm.s32 $0x1  }
0x4: {  	s18 =	simm.s32 $0x50;
	s19 =	simm.s32 $0x4E20;
	s20 =	simm.s32 $0x7620  }
0x5: {  	s21 =	simm.s32 $0x9E20;
	s22 =	simm.s32 $0x2;
	s29 =	simm.s32 $0x4DD0  }
0x6: {  	s30 =	simm.s32 $0x0;
	s2 =	sand.u32 $0x1, s2;
	s10 =	smul.u32 $0x13880, s0  }
0x7: {  	s4 =	sshll.u32 s0, $0x1;
	s11 =	sshll.u32 s0, $0x6;
	s12 =	smul.u32 $0x4E200, s0  }
0x8: {  	s5 =	sor.u32 s2, s4;
	s4 =	simm.s32 $0x0;
	s7 =	smul.u32 $0x27100, s2  }
0x9: {  	s2 =	ssub.s32 $0x2, s2;
	s5 =	smul.u32 $0x2710, s5;
	[smem:$0x7FF] =	sst s4  }
0xa: {  	s26 =	sshrl.u32 s2, $0x1;
	s24 =	sshrl.u32 s10, $0x3;
	s28 =	sshrl.u32 s12, $0x2  }
0xb: {  	s25 =	sadd.s32 s10, s3;
	s12 =	simm.s32 $0x5;
	_ =	strace $0x8000004D  }
0xc: {  	s9 =	sadd.s32 s7, s6;
	s2 =	ssub.s32 s2, s26;
	s31 =	sadd.s32 s28, s3  }
0xd: {  	s25 =	sshrl.u32 s25, $0x3;
	s26 =	simm.s32 $0x4;
	s5 =	sshrl.u32 s5, $0x3  }
0xe: {  	s23 =	sadd.s32 $0x16600, s9;
	s9 =	smax.u32 s2, $0x1;
	s13 =	sadd.s32 $0x3E80, s31  }
0xf: {  	s14 =	sadd.s32 $0x7D00, s31;
	s15 =	sadd.s32 $0xBB80, s31;
	s16 =	sadd.s32 $0xFA00, s31  }
0x10: {  	s8 =	sadd.s32 s5, s6;
	s5 =	sadd.s32 $0x15E00, s6;
	s13 =	sshrl.u32 s13, $0x3  }
0x11: {  	s14 =	sshrl.u32 s14, $0x3;
	s15 =	sshrl.u32 s15, $0x3;
	s16 =	sshrl.u32 s16, $0x3  }
0x12: {  	s23 =	sadd.s32 s24, s23;
	s24 =	simm.s32 $0x3;
	s6 =	sadd.s32 $0x2400, s8  }
0x13: {  	s7 =	sadd.s32 $0xC040, s8;
	s8 =	sor.u32 $0x1C05, s11;
	s11 =	sshrl.u32 s31, $0x3  }
.LBB2_1:
0x14: {  	[tilespmem:s4], [sflag:$0x1] =	stream.linear.gather [hbm4b:s6+s4], $0x2710, $0x38;
	[tilespmem:$0x1FEA0] =	vst v63  }
0x15: {  	s0 =	simm.s32 $0x2710  }
0x16: {  	[tilespmem:s0], [sflag:$0x1] =	stream.linear.gather [hbm4b:s7+s4], $0x2710, $0x38;
	[tilespmem:$0x1FEA0] =	vst v63  }
0x17: {  	[spmem:s11], [sflag:s8] =	dma.local [hbm:s5], $0x7D0  }
0x18: {  	_ =	swait.ge [sflag:s12], $0x7D0  }
0x19: {  	[sflag:s12] =	ssyncset.done $0x0  }
0x1a: {  	[sflag:s12] =	ssyncadd.s32 $0xFFFFF830  }
0x1b: {  	[spmem:s13], [sflag:s8] =	dma.local [hbm:s5], $0x7D0  }
0x1c: {  	_ =	swait.ge [sflag:s12], $0x7D0  }
0x1d: {  	[sflag:s12] =	ssyncset.done $0x0  }
0x1e: {  	[sflag:s12] =	ssyncadd.s32 $0xFFFFF830  }
0x1f: {  	[spmem:s14], [sflag:s8] =	dma.local [hbm:s5], $0x7D0  }
0x20: {  	_ =	swait.ge [sflag:s12], $0x7D0  }
0x21: {  	[sflag:s12] =	ssyncset.done $0x0  }
0x22: {  	[sflag:s12] =	ssyncadd.s32 $0xFFFFF830  }
0x23: {  	[spmem:s15], [sflag:s8] =	dma.local [hbm:s5], $0x7D0  }
0x24: {  	_ =	swait.ge [sflag:s12], $0x7D0  }
0x25: {  	[sflag:s12] =	ssyncset.done $0x0  }
0x26: {  	[sflag:s12] =	ssyncadd.s32 $0xFFFFF830  }
0x27: {  	[spmem:s16], [sflag:s8] =	dma.local [hbm:s5], $0x7D0  }
0x28: {  	_ =	swait.ge [sflag:s12], $0x7D0  }
0x29: {  	[sflag:s12] =	ssyncset.done $0x0  }
0x2a: {  	[sflag:s12] =	ssyncadd.s32 $0xFFFFF830  }
0x2b: {  	_ =	swait.ge [sflag:s17], $0x2710  }
0x2c: {  	[sflag:s17] =	ssyncset.done $0x0  }
0x2d: {  	[sflag:s17] =	ssyncadd.s32 $0xFFFFD8F0  }
0x2e: {  	_ =	swait.ge [sflag:s17], $0x2710  }
0x2f: {  	[sflag:s17] =	ssyncset.done $0x0  }
0x30: {  	[sflag:s17] =	ssyncadd.s32 $0xFFFFD8F0  }
0x31: {  	[tilespmem:s19], [sflag:$0x2] =	stream.indirect.gather [hbm4b:s1+s18], $0x80, s4, s18, $0xb8;
	[tilespmem:$0x1FEA0] =	vst v63  }
0x32: {  	_ = 	snop  }
0x33: {  	[tilespmem:s20], [sflag:$0x3] =	stream.indirect.gather [hbm4b:s1+s18], $0x80, s18, s18, $0xb8;
	[tilespmem:$0x1FEA0] =	vst v63  }
0x34: {  	s2 =	simm.s32 $0xA0;
	[bflag:$0x0] =	sbarrier.arrive $0xFFFF  }
0x35: {  	[tilespmem:s21], [sflag:$0x4] =	stream.indirect.gather [hbm4b:s1+s18], $0x80, s2, s18, $0xb8;
	[tilespmem:$0x1FEA0] =	vst v63  }
0x36: {  	_ =	swait.ge [sflag:s22], $0x2800  }
0x37: {  	[sflag:s22] =	ssyncset.done $0x0  }
0x38: {  	s10 =	simm.s32 $0x2710;
	[sflag:s22] =	ssyncadd.s32 $0xFFFFD800  }
0x39: {  	[spmem:s3] =	stream.indirect.scatter.add.f32 [tilespmem:s19], [sflag:$0x5], $0x80, s10, s18, $0xb8;
	[tilespmem:$0x1FEA0] =	vst v63  }
0x3a: {  	_ =	swait.ge [sflag:s12], $0x2800  }
0x3b: {  	[sflag:s12] =	ssyncset.done $0x0  }
0x3c: {  	s28 =	simm.s32 $0xF0;
	[sflag:s12] =	ssyncadd.s32 $0xFFFFD800  }
0x3d: {  	[tilespmem:s19], [sflag:$0x2] =	stream.indirect.gather [hbm4b:s1+s18], $0x80, s28, s18, $0xb8;
	[tilespmem:$0x1FEA0] =	vst v63  }
0x3e: {  	_ =	swait.ge [sflag:s24], $0x2800  }
0x3f: {  	[sflag:s24] =	ssyncset.done $0x0  }
0x40: {  	s0 =	simm.s32 $0x2760;
	[sflag:s24] =	ssyncadd.s32 $0xFFFFD800  }
0x41: {  	[spmem:s3] =	stream.indirect.scatter.add.f32 [tilespmem:s20], [sflag:$0x5], $0x80, s0, s18, $0xb8;
	[tilespmem:$0x1FEA0] =	vst v63  }
0x42: {  	_ =	swait.ge [sflag:s12], $0x2800  }
0x43: {  	[sflag:s12] =	ssyncset.done $0x0  }
0x44: {  	s10 =	simm.s32 $0x140;
	[sflag:s12] =	ssyncadd.s32 $0xFFFFD800  }
0x45: {  	[tilespmem:s20], [sflag:$0x3] =	stream.indirect.gather [hbm4b:s1+s18], $0x80, s10, s18, $0xb8;
	[tilespmem:$0x1FEA0] =	vst v63  }
0x46: {  	_ =	swait.ge [sflag:s26], $0x2800  }
0x47: {  	[sflag:s26] =	ssyncset.done $0x0  }
0x48: {  	s28 =	simm.s32 $0x27B0;
	[sflag:s26] =	ssyncadd.s32 $0xFFFFD800  }
0x49: {  	[spmem:s3] =	stream.indirect.scatter.add.f32 [tilespmem:s21], [sflag:$0x5], $0x80, s28, s18, $0xb8;
	[tilespmem:$0x1FEA0] =	vst v63  }
0x4a: {  	_ =	swait.ge [sflag:s12], $0x2800  }
0x4b: {  	s31 =	simm.s32 $0xF0;
	s2 =	simm.s32 $0x780;
	[sflag:s12] =	ssyncset.done $0x0  }
.LBB2_2:
0x4c: {  	s0 =	sadd.s32 $0xA0, s31  }
0x4d: {  	[sflag:s12] =	ssyncadd.s32 $0xFFFFD800;
	s10 =	smov.u32 s2;
	s28 =	sadd.s32 $0x3C0, s2  }
0x4e: {  	[tilespmem:s21], [sflag:$0x4] =	stream.indirect.gather [hbm4b:s1+s18], $0x80, s0, s18, $0xb8;
	[tilespmem:$0x1FEA0] =	vst v63  }
0x4f: {  	p0 =	sne.s32 s2, $0x9600;
	_ =	swait.ge [sflag:s22], $0x2800  }
0x50: {  	[sflag:s22] =	ssyncset.done $0x0  }
0x51: {  	s0 =	sadd.s32 $0x2710, s31;
	[sflag:s22] =	ssyncadd.s32 $0xFFFFD800  }
0x52: {  	[spmem:s3] =	stream.indirect.scatter.add.f32 [tilespmem:s19], [sflag:$0x5], $0x80, s0, s18, $0xb8;
	[tilespmem:$0x1FEA0] =	vst v63  }
0x53: {  	_ =	swait.ge [sflag:s12], $0x2800  }
0x54: {  	[sflag:s12] =	ssyncset.done $0x0  }
0x55: {  	s0 =	sadd.s32 $0xF0, s31;
	[sflag:s12] =	ssyncadd.s32 $0xFFFFD800  }
0x56: {  	[tilespmem:s19], [sflag:$0x2] =	stream.indirect.gather [hbm4b:s1+s18], $0x80, s0, s18, $0xb8;
	[tilespmem:$0x1FEA0] =	vst v63  }
0x57: {  	_ =	swait.ge [sflag:s24], $0x2800  }
0x58: {  	[sflag:s24] =	ssyncset.done $0x0  }
0x59: {  	s0 =	sadd.s32 $0x2760, s31;
	[sflag:s24] =	ssyncadd.s32 $0xFFFFD800  }
0x5a: {  	[spmem:s3] =	stream.indirect.scatter.add.f32 [tilespmem:s20], [sflag:$0x5], $0x80, s0, s18, $0xb8;
	[tilespmem:$0x1FEA0] =	vst v63  }
0x5b: {  	_ =	swait.ge [sflag:s12], $0x2800  }
0x5c: {  	[sflag:s12] =	ssyncset.done $0x0  }
0x5d: {  	s0 =	sadd.s32 $0x140, s31;
	[sflag:s12] =	ssyncadd.s32 $0xFFFFD800  }
0x5e: {  	[tilespmem:s20], [sflag:$0x3] =	stream.indirect.gather [hbm4b:s1+s18], $0x80, s0, s18, $0xb8;
	[tilespmem:$0x1FEA0] =	vst v63  }
0x5f: {  	_ =	swait.ge [sflag:s26], $0x2800  }
.Ltmp0:
0x60: {  	[sflag:s26] =	ssyncset.done $0x0;
	(pc) =	sbr.rel @p0 .LBB2_2-.Ltmp0, $4  }
0x61: {  	s0 =	sadd.s32 $0x27B0, s31;
	[sflag:s26] =	ssyncadd.s32 $0xFFFFD800  }
0x62: {  	[spmem:s3] =	stream.indirect.scatter.add.f32 [tilespmem:s21], [sflag:$0x5], $0x80, s0, s18, $0xb8;
	[tilespmem:$0x1FEA0] =	vst v63  }
0x63: {  	_ =	swait.ge [sflag:s12], $0x2800  }
0x64: {  	s2 =	smov.u32 s28;
	s31 =	sshra.s32 s10, $0x2;
	[sflag:s12] =	ssyncset.done $0x0  }
0x65: {  	s0 =	sadd.s32 $0xA0, s31;
	[sflag:s12] =	ssyncadd.s32 $0xFFFFD800  }
0x66: {  	[tilespmem:s21], [sflag:$0x4] =	stream.indirect.gather [hbm4b:s1+s18], $0x80, s0, s18, $0xb8;
	[tilespmem:$0x1FEA0] =	vst v63  }
0x67: {  	_ =	swait.ge [sflag:s22], $0x2800  }
0x68: {  	[sflag:s22] =	ssyncset.done $0x0  }
0x69: {  	s10 =	sadd.s32 $0x2710, s31;
	[sflag:s22] =	ssyncadd.s32 $0xFFFFD800  }
0x6a: {  	[spmem:s3] =	stream.indirect.scatter.add.f32 [tilespmem:s19], [sflag:$0x5], $0x80, s10, s18, $0xb8;
	[tilespmem:$0x1FEA0] =	vst v63  }
0x6b: {  	_ =	swait.ge [sflag:s12], $0x2800  }
0x6c: {  	[sflag:s12] =	ssyncset.done $0x0  }
0x6d: {  	s28 =	sadd.s32 $0xF0, s31;
	[sflag:s12] =	ssyncadd.s32 $0xFFFFD800  }
0x6e: {  	[tilespmem:s19], [sflag:$0x2] =	stream.indirect.gather [hbm4b:s1+s18], $0x80, s28, s18, $0xb8;
	[tilespmem:$0x1FEA0] =	vst v63  }
0x6f: {  	_ =	swait.ge [sflag:s24], $0x2800  }
0x70: {  	[sflag:s24] =	ssyncset.done $0x0  }
0x71: {  	s2 =	sadd.s32 $0x2760, s31;
	[sflag:s24] =	ssyncadd.s32 $0xFFFFD800  }
0x72: {  	[spmem:s3] =	stream.indirect.scatter.add.f32 [tilespmem:s20], [sflag:$0x5], $0x80, s2, s18, $0xb8;
	[tilespmem:$0x1FEA0] =	vst v63  }
0x73: {  	_ =	swait.ge [sflag:s12], $0x2800  }
0x74: {  	[sflag:s12] =	ssyncset.done $0x0  }
0x75: {  	s10 =	sadd.s32 $0x140, s31;
	[sflag:s12] =	ssyncadd.s32 $0xFFFFD800  }
0x76: {  	[tilespmem:s20], [sflag:$0x3] =	stream.indirect.gather [hbm4b:s1+s18], $0x80, s10, s18, $0xb8;
	[tilespmem:$0x1FEA0] =	vst v63  }
0x77: {  	_ =	swait.ge [sflag:s26], $0x2800  }
0x78: {  	[sflag:s26] =	ssyncset.done $0x0  }
0x79: {  	s28 =	sadd.s32 $0x27B0, s31;
	[sflag:s26] =	ssyncadd.s32 $0xFFFFD800  }
0x7a: {  	[spmem:s3] =	stream.indirect.scatter.add.f32 [tilespmem:s21], [sflag:$0x5], $0x80, s28, s18, $0xb8;
	[tilespmem:$0x1FEA0] =	vst v63  }
0x7b: {  	_ =	swait.ge [sflag:s12], $0x2800  }
0x7c: {  	[sflag:s12] =	ssyncset.done $0x0  }
0x7d: {  	[sflag:s12] =	ssyncadd.s32 $0xFFFFD800  }
0x7e: {  	_ =	swait.ge [sflag:s22], $0x2800  }
0x7f: {  	[sflag:s22] =	ssyncset.done $0x0  }
0x80: {  	s31 =	simm.s32 $0x4D80;
	[sflag:s22] =	ssyncadd.s32 $0xFFFFD800  }
0x81: {  	[spmem:s3] =	stream.indirect.scatter.add.f32 [tilespmem:s19], [sflag:$0x5], $0x80, s31, s18, $0xb8;
	[tilespmem:$0x1FEA0] =	vst v63  }
0x82: {  	_ =	swait.ge [sflag:s12], $0x2800  }
0x83: {  	[sflag:s12] =	ssyncset.done $0x0  }
0x84: {  	[sflag:s12] =	ssyncadd.s32 $0xFFFFD800  }
0x85: {  	_ =	swait.ge [sflag:s24], $0x2800  }
0x86: {  	[sflag:s24] =	ssyncset.done $0x0  }
0x87: {  	[sflag:s24] =	ssyncadd.s32 $0xFFFFD800  }
0x88: {  	[spmem:s3] =	stream.indirect.scatter.add.f32 [tilespmem:s20], [sflag:$0x5], $0x80, s29, s18, $0xb8;
	[tilespmem:$0x1FEA0] =	vst v63  }
0x89: {  	_ =	swait.ge [sflag:s12], $0x2800  }
0x8a: {  	s30 =	sadd.s32 $0x1, s30;
	[sflag:s12] =	ssyncset.done $0x0  }
0x8b: {  	p0 =	sne.s32 s30, s9;
	[sflag:s12] =	ssyncadd.s32 $0xFFFFD800  }
.Ltmp1:
0x8c: {  	[bflag:$0x0] =	sbarrier.arrive $0xFFFF;
	(pc) =	sbr.rel @p0 .LBB2_1-.Ltmp1, $4  }
0x8d: {  	[hbm:s23], [sflag:s8] =	dma.local [spmem:s25], $0x2710  }
0x8e: {  	_ =	swait.ge [sflag:s12], $0x2710  }
0x8f: {  	[sflag:s12] =	ssyncset.done $0x0  }
0x90: {  	[sflag:s12] =	ssyncadd.s32 $0xFFFFD8F0  }
0x91: {  	_ =	sfence.sel $0x180000  }
0x92: {  	[bflag:$0x0] =	sbarrier.arrive $0xFFFF  }
0x93: {  	_ =	strace $0x9000004D  }
0x94: {  	s0 =	stileid.u32;
	[bflag:$0x2] =	sbarrier.arrive $0xFFFF  }
0x95: {  	p0 =	sne.s32 s0, $0x0;
	s0 =	rddreg [dreg:$0x3]  }
0x96: {  	s0 =	sadd.s32 @!p0 $0x100000, s0  }
0x97: {  	[sflag:s0] =	ssyncadd.tile.s32 @!p0 $0x1;
	_ =	shalt  }
.Lfunc_end2:
_tile_overlayer_lowered:
.L_overlay_start_2:
0x98: {  	(tag) =	ssettag $0x2  }
0x99: {  	s0 =	rddreg [dreg:$0x0];
	s2 =	stileid.u32  }
0x9a: {  	s1 =	rddreg [dreg:$0x1];
	p0 =	sne.s32 s2, $0x0  }
0x9b: {  	s3 =	rddreg [dreg:$0x2];
	[bflag:$0x3] =	sbarrier.arrive $0xFFFF;
	s2 =	simm.s32 @!p0 $0x1C05  }
0x9c: {  	[timem:s3], [sflag:s2] =	dma.local @!p0 [hbm:s0], s1  }
0x9d: {  	s0 =	simm.s32 @!p0 $0x5  }
0x9e: {  	_ =	swait.ge @!p0 [sflag:s0], s1  }
0x9f: {  	s1 =	ssub.s32 @!p0 $0x0, s1;
	[sflag:s0] =	ssyncset.done @!p0 $0x0  }
0xa0: {  	[sflag:s0] =	ssyncadd.s32 @!p0 s1  }
0xa1: {  	[bflag:$0x3] =	sbarrier.arrive $0xFFFF  }
0xa2: {  	_ =	shalt  }

</sc_bundles>
